<compile_context>
chip_gen: v7x
topology: tpu7x:2x2x1
jax: 0.10.2.dev20260603
libtpu: 0.0.44.dev20260713+nightly
codegen_flags: <defaults>
</compile_context>

<pallas_src>
import functools

import jax
import jax.numpy as jnp
from jax import lax
from jax.experimental import pallas as pl
from jax.experimental.pallas import tpu as pltpu
from jax.experimental.pallas import tpu_sc as plsc

B, N, M = 8, 2048, 2048
NW = 32
WPB = NW // B
R = N // WPB
L = 16
BIG = 3.0e38


def _make_sc_kernel():
    mesh = plsc.VectorSubcoreMesh(core_axis_name="c", subcore_axis_name="s")
    f32 = jnp.float32

    @functools.partial(
        pl.kernel,
        mesh=mesh,
        out_type=[
            jax.ShapeDtypeStruct((B * N,), f32),
            jax.ShapeDtypeStruct((NW * M,), f32),
        ],
        scratch_types=[
            pltpu.VMEM((R,), f32),
            pltpu.VMEM((R,), f32),
            pltpu.VMEM((R,), f32),
            pltpu.VMEM((M,), f32),
            pltpu.VMEM((M,), f32),
            pltpu.VMEM((M,), f32),
            pltpu.VMEM((M,), f32),
            pltpu.VMEM((R,), f32),
        ],
    )
    def sck(pxh, pyh, pzh, txh, tyh, tzh, rowmin_hbm, colmin_hbm,
            px_v, py_v, pz_v, tx_v, ty_v, tz_v, cm_v, rm_v):
        c = lax.axis_index("c")
        s = lax.axis_index("s")
        wid = c * 16 + s
        b = wid // WPB
        base = (wid % WPB) * R
        pltpu.sync_copy(pxh.at[pl.ds(b * N + base, R)], px_v)
        pltpu.sync_copy(pyh.at[pl.ds(b * N + base, R)], py_v)
        pltpu.sync_copy(pzh.at[pl.ds(b * N + base, R)], pz_v)
        pltpu.sync_copy(txh.at[pl.ds(b * M, M)], tx_v)
        pltpu.sync_copy(tyh.at[pl.ds(b * M, M)], ty_v)
        pltpu.sync_copy(tzh.at[pl.ds(b * M, M)], tz_v)

        def init_cm(jc, _):
            cm_v[pl.ds(jc * L, L)] = jnp.full((L,), BIG, f32)
            return 0

        lax.fori_loop(0, M // L, init_cm, 0)

        lane = lax.broadcasted_iota(jnp.int32, (L,), 0)

        def vmin_all(v):
            for sh in (8, 4, 2, 1):
                idx = jnp.bitwise_and(lane + sh, L - 1)
                v = jnp.minimum(v, v[idx])
            return v

        def chunk_body(ic, _):
            pvx = px_v[pl.ds(ic * L, L)]
            pvy = py_v[pl.ds(ic * L, L)]
            pvz = pz_v[pl.ds(ic * L, L)]

            def j_body(jc, rowaccs):
                off = jc * L
                txv = tx_v[pl.ds(off, L)]
                tyv = ty_v[pl.ds(off, L)]
                tzv = tz_v[pl.ds(off, L)]
                colacc = cm_v[pl.ds(off, L)]
                new_accs = []
                for k in range(L):
                    dx = txv - pvx[k]
                    dy = tyv - pvy[k]
                    dz = tzv - pvz[k]
                    d = dx * dx + dy * dy + dz * dz
                    colacc = jnp.minimum(colacc, d)
                    new_accs.append(jnp.minimum(rowaccs[k], d))
                cm_v[pl.ds(off, L)] = colacc
                return tuple(new_accs)

            rowaccs = lax.fori_loop(
                0, M // L, j_body,
                tuple(jnp.full((L,), BIG, f32) for _ in range(L)))
            rowvec = jnp.full((L,), BIG, f32)
            for k in range(L):
                rowvec = jnp.where(lane == k, vmin_all(rowaccs[k]), rowvec)
            rm_v[pl.ds(ic * L, L)] = rowvec
            return 0

        lax.fori_loop(0, R // L, chunk_body, 0)

        pltpu.sync_copy(rm_v, rowmin_hbm.at[pl.ds(b * N + base, R)])
        pltpu.sync_copy(cm_v, colmin_hbm.at[pl.ds(wid * M, M)])

    return sck


_sck = _make_sc_kernel()


@jax.jit
def kernel(pred, target):
    coords_p = [pred[:, :, c].reshape(-1) for c in range(3)]
    coords_t = [target[:, :, c].reshape(-1) for c in range(3)]
    rowmin, colmin_parts = _sck(*coords_p, *coords_t)
    colmin = jnp.min(colmin_parts.reshape(B, WPB, M), axis=1)
    return jnp.mean(rowmin) + jnp.mean(colmin)

# --- scband reference (transcript-rebuilt; emitter-appended) ---
"""Pipeline reference for scband-chamfer-loss-34351148433808 (READ-ONLY COPY).

The authoritative reference and input builder live on the scoring server;
editing this copy changes nothing except your own understanding.
"""

import jax, jax.numpy as jnp
import numpy as np

def setup_inputs(seed: int = 0) -> dict:
    key = jax.random.key(seed)
    k1, k2 = jax.random.split(key)
    pred = jax.random.normal(k1, (8, 2048, 3), dtype=jnp.float32)
    target = jax.random.normal(k2, (8, 2048, 3), dtype=jnp.float32)
    return {"pred": pred, "target": target}

def reference(pred, target):
    # diff: (B, N, M, 3)
    diff = pred[:, :, None, :] - target[:, None, :, :]
    dist = jnp.sum(diff ** 2, axis=-1)  # (B, N, M)
    min_pred_to_target = jnp.min(dist, axis=2)  # (B, N)
    min_target_to_pred = jnp.min(dist, axis=1)  # (B, M)
    loss = jnp.mean(min_pred_to_target) + jnp.mean(min_target_to_pred)
    return loss

if __name__ == "__main__":
    import jax
    _d = setup_inputs()
    print(jax.jit(kernel)(*tuple(_d.values())))

</pallas_src>

<mosaic_0001>
#map = affine_map<(d0, d1) -> (0)>
module attributes {stable_mosaic.version = 14 : i64} {
  func.func @sck(%arg0: i32, %arg1: i32, %arg2: memref<16384xf32, #tpu.memory_space<hbm>>, %arg3: memref<16384xf32, #tpu.memory_space<hbm>>, %arg4: memref<16384xf32, #tpu.memory_space<hbm>>, %arg5: memref<16384xf32, #tpu.memory_space<hbm>>, %arg6: memref<16384xf32, #tpu.memory_space<hbm>>, %arg7: memref<16384xf32, #tpu.memory_space<hbm>>, %arg8: memref<16384xf32, #tpu.memory_space<hbm>>, %arg9: memref<65536xf32, #tpu.memory_space<hbm>>, %arg10: memref<512xf32, #tpu.memory_space<vmem>>, %arg11: memref<512xf32, #tpu.memory_space<vmem>>, %arg12: memref<512xf32, #tpu.memory_space<vmem>>, %arg13: memref<2048xf32, #tpu.memory_space<vmem>>, %arg14: memref<2048xf32, #tpu.memory_space<vmem>>, %arg15: memref<2048xf32, #tpu.memory_space<vmem>>, %arg16: memref<2048xf32, #tpu.memory_space<vmem>>, %arg17: memref<512xf32, #tpu.memory_space<vmem>>) attributes {dimension_semantics = [#tpu.dimension_semantics<core_parallel>, #tpu.dimension_semantics<subcore_parallel>], iteration_bounds = array<i64: 2, 16>, scalar_prefetch = 0 : i64, scratch_operands = 8 : i64, tpu.core_type = #tpu.core_type<sc_vector_subcore>, window_params = [{transform_indices = #map}, {transform_indices = #map}, {transform_indices = #map}, {transform_indices = #map}, {transform_indices = #map}, {transform_indices = #map}, {transform_indices = #map}, {transform_indices = #map}]} {
    %mul3A = arith.constant 16 : i32
    %mul3A_0 = arith.muli %arg0, %mul3A : i32
    %add3A = arith.addi %mul3A_0, %arg1 : i32
    %jit3A = arith.constant 4 : i32
    %div3A = arith.divsi %add3A, %jit3A : i32
    %sign3A = arith.constant 0 : i32
    %sign3A_1 = arith.cmpi sgt, %add3A, %sign3A : i32
    %sign3A_2 = arith.extui %sign3A_1 : i1 to i32
    %sign3A_3 = arith.constant 0 : i32
    %sign3A_4 = arith.cmpi slt, %add3A, %sign3A_3 : i32
    %sign3A_5 = arith.extui %sign3A_4 : i1 to i32
    %sign3A_6 = arith.subi %sign3A_2, %sign3A_5 : i32
    %sign3A_7 = arith.constant 0 : i32
    %sign3A_8 = arith.cmpi sgt, %jit3A, %sign3A_7 : i32
    %sign3A_9 = arith.extui %sign3A_8 : i1 to i32
    %sign3A_10 = arith.constant 0 : i32
    %sign3A_11 = arith.cmpi slt, %jit3A, %sign3A_10 : i32
    %sign3A_12 = arith.extui %sign3A_11 : i1 to i32
    %sign3A_13 = arith.subi %sign3A_9, %sign3A_12 : i32
    %ne3A = arith.cmpi ne, %sign3A_6, %sign3A_13 : i32
    %rem3A = arith.remsi %add3A, %jit3A : i32
    %ne3A_14 = arith.constant 0 : i32
    %ne3A_15 = arith.cmpi ne, %rem3A, %ne3A_14 : i32
    %and3A = arith.andi %ne3A, %ne3A_15 : i1
    %sub3A = arith.constant 1 : i32
    %sub3A_16 = arith.subi %div3A, %sub3A : i32
    %select_n3A = arith.select %and3A, %sub3A_16, %div3A : i32
    %jit3A_17 = arith.constant 4 : i32
    %eq3A = arith.constant 0 : i32
    %eq3A_18 = arith.cmpi eq, %jit3A_17, %eq3A : i32
    %jit3A_19 = arith.constant 1 : i32
    %select_n3A_20 = arith.select %eq3A_18, %jit3A_19, %jit3A_17 : i32
    %rem3A_21 = arith.remsi %add3A, %select_n3A_20 : i32
    %ne3A_22 = arith.constant 0 : i32
    %ne3A_23 = arith.cmpi ne, %rem3A_21, %ne3A_22 : i32
    %lt3A = arith.constant 0 : i32
    %lt3A_24 = arith.cmpi slt, %rem3A_21, %lt3A : i32
    %lt3A_25 = arith.constant 0 : i32
    %lt3A_26 = arith.cmpi slt, %select_n3A_20, %lt3A_25 : i32
    %ne3A_27 = arith.xori %lt3A_24, %lt3A_26 : i1
    %and3A_28 = arith.andi %ne3A_27, %ne3A_23 : i1
    %add3A_29 = arith.addi %rem3A_21, %select_n3A_20 : i32
    %select_n3A_30 = arith.select %and3A_28, %add3A_29, %rem3A_21 : i32
    %mul3A_31 = arith.constant 512 : i32
    %mul3A_32 = arith.muli %select_n3A_30, %mul3A_31 : i32
    %mul3A_33 = arith.constant 2048 : i32
    %mul3A_34 = arith.muli %select_n3A, %mul3A_33 : i32
    %add3A_35 = arith.addi %mul3A_34, %mul3A_32 : i32
    "tpu.region"() ({
      %run_scoped3A = tpu.sem_alloc : memref<!tpu.dma_semaphore, #tpu.memory_space<semaphore_mem>>
      %dma_start3A = tpu.memref_slice %arg2[%add3A_35] : memref<16384xf32, #tpu.memory_space<hbm>> -> memref<512xf32, #tpu.memory_space<hbm>>
      %dma_start3A_66 = tpu.memref_slice %arg2[%add3A_35] : memref<16384xf32, #tpu.memory_space<hbm>> -> memref<512xf32, #tpu.memory_space<hbm>>
      tpu.enqueue_dma source(%dma_start3A_66 : memref<512xf32, #tpu.memory_space<hbm>>) target(%arg10 : memref<512xf32, #tpu.memory_space<vmem>>) target_semaphore(%run_scoped3A : memref<!tpu.dma_semaphore, #tpu.memory_space<semaphore_mem>>)
      %dma_wait3A = tpu.memref_slice %arg2[%add3A_35] : memref<16384xf32, #tpu.memory_space<hbm>> -> memref<512xf32, #tpu.memory_space<hbm>>
      %dma_wait3A_67 = tpu.memref_slice %arg2[%add3A_35] : memref<16384xf32, #tpu.memory_space<hbm>> -> memref<512xf32, #tpu.memory_space<hbm>>
      tpu.wait_dma2 semaphore(%run_scoped3A : memref<!tpu.dma_semaphore, #tpu.memory_space<semaphore_mem>>) src(%dma_wait3A_67 : memref<512xf32, #tpu.memory_space<hbm>>) dst(%arg10 : memref<512xf32, #tpu.memory_space<vmem>>)
      tpu.yield
    }) : () -> ()
    %mul3A_36 = arith.constant 2048 : i32
    %mul3A_37 = arith.muli %select_n3A, %mul3A_36 : i32
    %add3A_38 = arith.addi %mul3A_37, %mul3A_32 : i32
    "tpu.region"() ({
      %run_scoped3A = tpu.sem_alloc : memref<!tpu.dma_semaphore, #tpu.memory_space<semaphore_mem>>
      %dma_start3A = tpu.memref_slice %arg3[%add3A_38] : memref<16384xf32, #tpu.memory_space<hbm>> -> memref<512xf32, #tpu.memory_space<hbm>>
      %dma_start3A_66 = tpu.memref_slice %arg3[%add3A_38] : memref<16384xf32, #tpu.memory_space<hbm>> -> memref<512xf32, #tpu.memory_space<hbm>>
      tpu.enqueue_dma source(%dma_start3A_66 : memref<512xf32, #tpu.memory_space<hbm>>) target(%arg11 : memref<512xf32, #tpu.memory_space<vmem>>) target_semaphore(%run_scoped3A : memref<!tpu.dma_semaphore, #tpu.memory_space<semaphore_mem>>)
      %dma_wait3A = tpu.memref_slice %arg3[%add3A_38] : memref<16384xf32, #tpu.memory_space<hbm>> -> memref<512xf32, #tpu.memory_space<hbm>>
      %dma_wait3A_67 = tpu.memref_slice %arg3[%add3A_38] : memref<16384xf32, #tpu.memory_space<hbm>> -> memref<512xf32, #tpu.memory_space<hbm>>
      tpu.wait_dma2 semaphore(%run_scoped3A : memref<!tpu.dma_semaphore, #tpu.memory_space<semaphore_mem>>) src(%dma_wait3A_67 : memref<512xf32, #tpu.memory_space<hbm>>) dst(%arg11 : memref<512xf32, #tpu.memory_space<vmem>>)
      tpu.yield
    }) : () -> ()
    %mul3A_39 = arith.constant 2048 : i32
    %mul3A_40 = arith.muli %select_n3A, %mul3A_39 : i32
    %add3A_41 = arith.addi %mul3A_40, %mul3A_32 : i32
    "tpu.region"() ({
      %run_scoped3A = tpu.sem_alloc : memref<!tpu.dma_semaphore, #tpu.memory_space<semaphore_mem>>
      %dma_start3A = tpu.memref_slice %arg4[%add3A_41] : memref<16384xf32, #tpu.memory_space<hbm>> -> memref<512xf32, #tpu.memory_space<hbm>>
      %dma_start3A_66 = tpu.memref_slice %arg4[%add3A_41] : memref<16384xf32, #tpu.memory_space<hbm>> -> memref<512xf32, #tpu.memory_space<hbm>>
      tpu.enqueue_dma source(%dma_start3A_66 : memref<512xf32, #tpu.memory_space<hbm>>) target(%arg12 : memref<512xf32, #tpu.memory_space<vmem>>) target_semaphore(%run_scoped3A : memref<!tpu.dma_semaphore, #tpu.memory_space<semaphore_mem>>)
      %dma_wait3A = tpu.memref_slice %arg4[%add3A_41] : memref<16384xf32, #tpu.memory_space<hbm>> -> memref<512xf32, #tpu.memory_space<hbm>>
      %dma_wait3A_67 = tpu.memref_slice %arg4[%add3A_41] : memref<16384xf32, #tpu.memory_space<hbm>> -> memref<512xf32, #tpu.memory_space<hbm>>
      tpu.wait_dma2 semaphore(%run_scoped3A : memref<!tpu.dma_semaphore, #tpu.memory_space<semaphore_mem>>) src(%dma_wait3A_67 : memref<512xf32, #tpu.memory_space<hbm>>) dst(%arg12 : memref<512xf32, #tpu.memory_space<vmem>>)
      tpu.yield
    }) : () -> ()
    %mul3A_42 = arith.constant 2048 : i32
    %mul3A_43 = arith.muli %select_n3A, %mul3A_42 : i32
    "tpu.region"() ({
      %run_scoped3A = tpu.sem_alloc : memref<!tpu.dma_semaphore, #tpu.memory_space<semaphore_mem>>
      %dma_start3A = tpu.memref_slice %arg5[%mul3A_43] : memref<16384xf32, #tpu.memory_space<hbm>> -> memref<2048xf32, #tpu.memory_space<hbm>>
      %dma_start3A_66 = tpu.memref_slice %arg5[%mul3A_43] : memref<16384xf32, #tpu.memory_space<hbm>> -> memref<2048xf32, #tpu.memory_space<hbm>>
      tpu.enqueue_dma source(%dma_start3A_66 : memref<2048xf32, #tpu.memory_space<hbm>>) target(%arg13 : memref<2048xf32, #tpu.memory_space<vmem>>) target_semaphore(%run_scoped3A : memref<!tpu.dma_semaphore, #tpu.memory_space<semaphore_mem>>)
      %dma_wait3A = tpu.memref_slice %arg5[%mul3A_43] : memref<16384xf32, #tpu.memory_space<hbm>> -> memref<2048xf32, #tpu.memory_space<hbm>>
      %dma_wait3A_67 = tpu.memref_slice %arg5[%mul3A_43] : memref<16384xf32, #tpu.memory_space<hbm>> -> memref<2048xf32, #tpu.memory_space<hbm>>
      tpu.wait_dma2 semaphore(%run_scoped3A : memref<!tpu.dma_semaphore, #tpu.memory_space<semaphore_mem>>) src(%dma_wait3A_67 : memref<2048xf32, #tpu.memory_space<hbm>>) dst(%arg13 : memref<2048xf32, #tpu.memory_space<vmem>>)
      tpu.yield
    }) : () -> ()
    %mul3A_44 = arith.constant 2048 : i32
    %mul3A_45 = arith.muli %select_n3A, %mul3A_44 : i32
    "tpu.region"() ({
      %run_scoped3A = tpu.sem_alloc : memref<!tpu.dma_semaphore, #tpu.memory_space<semaphore_mem>>
      %dma_start3A = tpu.memref_slice %arg6[%mul3A_45] : memref<16384xf32, #tpu.memory_space<hbm>> -> memref<2048xf32, #tpu.memory_space<hbm>>
      %dma_start3A_66 = tpu.memref_slice %arg6[%mul3A_45] : memref<16384xf32, #tpu.memory_space<hbm>> -> memref<2048xf32, #tpu.memory_space<hbm>>
      tpu.enqueue_dma source(%dma_start3A_66 : memref<2048xf32, #tpu.memory_space<hbm>>) target(%arg14 : memref<2048xf32, #tpu.memory_space<vmem>>) target_semaphore(%run_scoped3A : memref<!tpu.dma_semaphore, #tpu.memory_space<semaphore_mem>>)
      %dma_wait3A = tpu.memref_slice %arg6[%mul3A_45] : memref<16384xf32, #tpu.memory_space<hbm>> -> memref<2048xf32, #tpu.memory_space<hbm>>
      %dma_wait3A_67 = tpu.memref_slice %arg6[%mul3A_45] : memref<16384xf32, #tpu.memory_space<hbm>> -> memref<2048xf32, #tpu.memory_space<hbm>>
      tpu.wait_dma2 semaphore(%run_scoped3A : memref<!tpu.dma_semaphore, #tpu.memory_space<semaphore_mem>>) src(%dma_wait3A_67 : memref<2048xf32, #tpu.memory_space<hbm>>) dst(%arg14 : memref<2048xf32, #tpu.memory_space<vmem>>)
      tpu.yield
    }) : () -> ()
    %mul3A_46 = arith.constant 2048 : i32
    %mul3A_47 = arith.muli %select_n3A, %mul3A_46 : i32
    "tpu.region"() ({
      %run_scoped3A = tpu.sem_alloc : memref<!tpu.dma_semaphore, #tpu.memory_space<semaphore_mem>>
      %dma_start3A = tpu.memref_slice %arg7[%mul3A_47] : memref<16384xf32, #tpu.memory_space<hbm>> -> memref<2048xf32, #tpu.memory_space<hbm>>
      %dma_start3A_66 = tpu.memref_slice %arg7[%mul3A_47] : memref<16384xf32, #tpu.memory_space<hbm>> -> memref<2048xf32, #tpu.memory_space<hbm>>
      tpu.enqueue_dma source(%dma_start3A_66 : memref<2048xf32, #tpu.memory_space<hbm>>) target(%arg15 : memref<2048xf32, #tpu.memory_space<vmem>>) target_semaphore(%run_scoped3A : memref<!tpu.dma_semaphore, #tpu.memory_space<semaphore_mem>>)
      %dma_wait3A = tpu.memref_slice %arg7[%mul3A_47] : memref<16384xf32, #tpu.memory_space<hbm>> -> memref<2048xf32, #tpu.memory_space<hbm>>
      %dma_wait3A_67 = tpu.memref_slice %arg7[%mul3A_47] : memref<16384xf32, #tpu.memory_space<hbm>> -> memref<2048xf32, #tpu.memory_space<hbm>>
      tpu.wait_dma2 semaphore(%run_scoped3A : memref<!tpu.dma_semaphore, #tpu.memory_space<semaphore_mem>>) src(%dma_wait3A_67 : memref<2048xf32, #tpu.memory_space<hbm>>) dst(%arg15 : memref<2048xf32, #tpu.memory_space<vmem>>)
      tpu.yield
    }) : () -> ()
    %scan3A = arith.constant 0 : i32
    %scan3A_48 = arith.constant 0 : i32
    %scan3A_49 = arith.constant 128 : i32
    %scan3A_50 = arith.addi %scan3A_48, %scan3A_49 : i32
    %scan3A_51 = arith.constant 1 : i32
    %scan3A_52 = scf.for %scan3A_66 = %scan3A_48 to %scan3A_50 step %scan3A_51 iter_args(%scan3A_67 = %scan3A) -> (i32)  : i32 {
      %broadcast_in_dim3A = arith.constant 3.000000e+38 : f32
      %broadcast_in_dim3A_68 = vector.broadcast %broadcast_in_dim3A : f32 to vector<16xf32>
      %mul3A_69 = arith.constant 16 : i32
      %mul3A_70 = arith.muli %scan3A_66, %mul3A_69 : i32
      %swap3A = arith.index_cast %mul3A_70 : i32 to index
      %swap3A_71 = tpu.vector_load %arg16[%swap3A] {strides = array<i32>} : memref<2048xf32, #tpu.memory_space<vmem>>, vector<16xf32>,
      %swap3A_72 = vector.shape_cast %swap3A_71 : vector<16xf32> to vector<16xf32>
      %swap3A_73 = vector.shape_cast %broadcast_in_dim3A_68 : vector<16xf32> to vector<16xf32>
      tpu.vector_store %arg16[%swap3A], %swap3A_73 {strides = array<i32>} : memref<2048xf32, #tpu.memory_space<vmem>>, vector<16xf32>,
      %scan3A_74 = arith.constant 0 : i32
      scf.yield %scan3A_74 : i32
    }
    %scan3A_53 = arith.constant 128 : i32
    %iota3A = tpu.iota {dimensions = array<i32: 0>} : vector<16xi32>
    %scan3A_54 = arith.constant 0 : i32
    %scan3A_55 = arith.constant 0 : i32
    %scan3A_56 = arith.constant 32 : i32
    %scan3A_57 = arith.addi %scan3A_55, %scan3A_56 : i32
    %scan3A_58 = arith.constant 1 : i32
    %scan3A_59 = scf.for %scan3A_66 = %scan3A_55 to %scan3A_57 step %scan3A_58 iter_args(%scan3A_67 = %scan3A_54) -> (i32)  : i32 {
      %mul3A_68 = arith.constant 16 : i32
      %mul3A_69 = arith.muli %scan3A_66, %mul3A_68 : i32
      %get3A = arith.index_cast %mul3A_69 : i32 to index
      %get3A_70 = tpu.vector_load %arg10[%get3A] {strides = array<i32>} : memref<512xf32, #tpu.memory_space<vmem>>, vector<16xf32>,
      %get3A_71 = vector.shape_cast %get3A_70 : vector<16xf32> to vector<16xf32>
      %mul3A_72 = arith.constant 16 : i32
      %mul3A_73 = arith.muli %scan3A_66, %mul3A_72 : i32
      %get3A_74 = arith.index_cast %mul3A_73 : i32 to index
      %get3A_75 = tpu.vector_load %arg11[%get3A_74] {strides = array<i32>} : memref<512xf32, #tpu.memory_space<vmem>>, vector<16xf32>,
      %get3A_76 = vector.shape_cast %get3A_75 : vector<16xf32> to vector<16xf32>
      %mul3A_77 = arith.constant 16 : i32
      %mul3A_78 = arith.muli %scan3A_66, %mul3A_77 : i32
      %get3A_79 = arith.index_cast %mul3A_78 : i32 to index
      %get3A_80 = tpu.vector_load %arg12[%get3A_79] {strides = array<i32>} : memref<512xf32, #tpu.memory_space<vmem>>, vector<16xf32>,
      %get3A_81 = vector.shape_cast %get3A_80 : vector<16xf32> to vector<16xf32>
      %broadcast_in_dim3A = arith.constant 3.000000e+38 : f32
      %broadcast_in_dim3A_82 = vector.broadcast %broadcast_in_dim3A : f32 to vector<16xf32>
      %broadcast_in_dim3A_83 = arith.constant 3.000000e+38 : f32
      %broadcast_in_dim3A_84 = vector.broadcast %broadcast_in_dim3A_83 : f32 to vector<16xf32>
      %broadcast_in_dim3A_85 = arith.constant 3.000000e+38 : f32
      %broadcast_in_dim3A_86 = vector.broadcast %broadcast_in_dim3A_85 : f32 to vector<16xf32>
      %broadcast_in_dim3A_87 = arith.constant 3.000000e+38 : f32
      %broadcast_in_dim3A_88 = vector.broadcast %broadcast_in_dim3A_87 : f32 to vector<16xf32>
      %broadcast_in_dim3A_89 = arith.constant 3.000000e+38 : f32
      %broadcast_in_dim3A_90 = vector.broadcast %broadcast_in_dim3A_89 : f32 to vector<16xf32>
      %broadcast_in_dim3A_91 = arith.constant 3.000000e+38 : f32
      %broadcast_in_dim3A_92 = vector.broadcast %broadcast_in_dim3A_91 : f32 to vector<16xf32>
      %broadcast_in_dim3A_93 = arith.constant 3.000000e+38 : f32
      %broadcast_in_dim3A_94 = vector.broadcast %broadcast_in_dim3A_93 : f32 to vector<16xf32>
      %broadcast_in_dim3A_95 = arith.constant 3.000000e+38 : f32
      %broadcast_in_dim3A_96 = vector.broadcast %broadcast_in_dim3A_95 : f32 to vector<16xf32>
      %broadcast_in_dim3A_97 = arith.constant 3.000000e+38 : f32
      %broadcast_in_dim3A_98 = vector.broadcast %broadcast_in_dim3A_97 : f32 to vector<16xf32>
      %broadcast_in_dim3A_99 = arith.constant 3.000000e+38 : f32
      %broadcast_in_dim3A_100 = vector.broadcast %broadcast_in_dim3A_99 : f32 to vector<16xf32>
      %broadcast_in_dim3A_101 = arith.constant 3.000000e+38 : f32
      %broadcast_in_dim3A_102 = vector.broadcast %broadcast_in_dim3A_101 : f32 to vector<16xf32>
      %broadcast_in_dim3A_103 = arith.constant 3.000000e+38 : f32
      %broadcast_in_dim3A_104 = vector.broadcast %broadcast_in_dim3A_103 : f32 to vector<16xf32>
      %broadcast_in_dim3A_105 = arith.constant 3.000000e+38 : f32
      %broadcast_in_dim3A_106 = vector.broadcast %broadcast_in_dim3A_105 : f32 to vector<16xf32>
      %broadcast_in_dim3A_107 = arith.constant 3.000000e+38 : f32
      %broadcast_in_dim3A_108 = vector.broadcast %broadcast_in_dim3A_107 : f32 to vector<16xf32>
      %broadcast_in_dim3A_109 = arith.constant 3.000000e+38 : f32
      %broadcast_in_dim3A_110 = vector.broadcast %broadcast_in_dim3A_109 : f32 to vector<16xf32>
      %broadcast_in_dim3A_111 = arith.constant 3.000000e+38 : f32
      %broadcast_in_dim3A_112 = vector.broadcast %broadcast_in_dim3A_111 : f32 to vector<16xf32>
      %scan3A_113 = arith.constant 0 : i32
      %scan3A_114 = arith.constant 128 : i32
      %scan3A_115 = arith.addi %scan3A_113, %scan3A_114 : i32
      %scan3A_116 = arith.constant 1 : i32
      %scan3A_117:16 = scf.for %scan3A_1277 = %scan3A_113 to %scan3A_115 step %scan3A_116 iter_args(%scan3A_1278 = %broadcast_in_dim3A_82, %scan3A_1279 = %broadcast_in_dim3A_84, %scan3A_1280 = %broadcast_in_dim3A_86, %scan3A_1281 = %broadcast_in_dim3A_88, %scan3A_1282 = %broadcast_in_dim3A_90, %scan3A_1283 = %broadcast_in_dim3A_92, %scan3A_1284 = %broadcast_in_dim3A_94, %scan3A_1285 = %broadcast_in_dim3A_96, %scan3A_1286 = %broadcast_in_dim3A_98, %scan3A_1287 = %broadcast_in_dim3A_100, %scan3A_1288 = %broadcast_in_dim3A_102, %scan3A_1289 = %broadcast_in_dim3A_104, %scan3A_1290 = %broadcast_in_dim3A_106, %scan3A_1291 = %broadcast_in_dim3A_108, %scan3A_1292 = %broadcast_in_dim3A_110, %scan3A_1293 = %broadcast_in_dim3A_112) -> (vector<16xf32>, vector<16xf32>, vector<16xf32>, vector<16xf32>, vector<16xf32>, vector<16xf32>, vector<16xf32>, vector<16xf32>, vector<16xf32>, vector<16xf32>, vector<16xf32>, vector<16xf32>, vector<16xf32>, vector<16xf32>, vector<16xf32>, vector<16xf32>)  : i32 {
        %mul3A_1294 = arith.constant 16 : i32
        %mul3A_1295 = arith.muli %scan3A_1277, %mul3A_1294 : i32
        %get3A_1296 = arith.index_cast %mul3A_1295 : i32 to index
        %get3A_1297 = tpu.vector_load %arg13[%get3A_1296] {strides = array<i32>} : memref<2048xf32, #tpu.memory_space<vmem>>, vector<16xf32>,
        %get3A_1298 = vector.shape_cast %get3A_1297 : vector<16xf32> to vector<16xf32>
        %get3A_1299 = arith.index_cast %mul3A_1295 : i32 to index
        %get3A_1300 = tpu.vector_load %arg14[%get3A_1299] {strides = array<i32>} : memref<2048xf32, #tpu.memory_space<vmem>>, vector<16xf32>,
        %get3A_1301 = vector.shape_cast %get3A_1300 : vector<16xf32> to vector<16xf32>
        %get3A_1302 = arith.index_cast %mul3A_1295 : i32 to index
        %get3A_1303 = tpu.vector_load %arg15[%get3A_1302] {strides = array<i32>} : memref<2048xf32, #tpu.memory_space<vmem>>, vector<16xf32>,
        %get3A_1304 = vector.shape_cast %get3A_1303 : vector<16xf32> to vector<16xf32>
        %get3A_1305 = arith.index_cast %mul3A_1295 : i32 to index
        %get3A_1306 = tpu.vector_load %arg16[%get3A_1305] {strides = array<i32>} : memref<2048xf32, #tpu.memory_space<vmem>>, vector<16xf32>,
        %get3A_1307 = vector.shape_cast %get3A_1306 : vector<16xf32> to vector<16xf32>
        %slice3A = vector.extract_strided_slice %get3A_71 {offsets = [0], sizes = [1], strides = [1]} : vector<16xf32> to vector<1xf32>
        %squeeze3A = vector.extract %slice3A[0] : f32 from vector<1xf32>
        %sub3A_1308 = vector.broadcast %squeeze3A : f32 to vector<16xf32>
        %sub3A_1309 = arith.subf %get3A_1298, %sub3A_1308 : vector<16xf32>
        %slice3A_1310 = vector.extract_strided_slice %get3A_76 {offsets = [0], sizes = [1], strides = [1]} : vector<16xf32> to vector<1xf32>
        %squeeze3A_1311 = vector.extract %slice3A_1310[0] : f32 from vector<1xf32>
        %sub3A_1312 = vector.broadcast %squeeze3A_1311 : f32 to vector<16xf32>
        %sub3A_1313 = arith.subf %get3A_1301, %sub3A_1312 : vector<16xf32>
        %slice3A_1314 = vector.extract_strided_slice %get3A_81 {offsets = [0], sizes = [1], strides = [1]} : vector<16xf32> to vector<1xf32>
        %squeeze3A_1315 = vector.extract %slice3A_1314[0] : f32 from vector<1xf32>
        %sub3A_1316 = vector.broadcast %squeeze3A_1315 : f32 to vector<16xf32>
        %sub3A_1317 = arith.subf %get3A_1304, %sub3A_1316 : vector<16xf32>
        %mul3A_1318 = arith.mulf %sub3A_1309, %sub3A_1309 : vector<16xf32>
        %mul3A_1319 = arith.mulf %sub3A_1313, %sub3A_1313 : vector<16xf32>
        %add3A_1320 = arith.addf %mul3A_1318, %mul3A_1319 : vector<16xf32>
        %mul3A_1321 = arith.mulf %sub3A_1317, %sub3A_1317 : vector<16xf32>
        %add3A_1322 = arith.addf %add3A_1320, %mul3A_1321 : vector<16xf32>
        %min3A_1323 = arith.minimumf %get3A_1307, %add3A_1322 : vector<16xf32>
        %min3A_1324 = arith.minimumf %scan3A_1278, %add3A_1322 : vector<16xf32>
        %slice3A_1325 = vector.extract_strided_slice %get3A_71 {offsets = [1], sizes = [1], strides = [1]} : vector<16xf32> to vector<1xf32>
        %squeeze3A_1326 = vector.extract %slice3A_1325[0] : f32 from vector<1xf32>
        %sub3A_1327 = vector.broadcast %squeeze3A_1326 : f32 to vector<16xf32>
        %sub3A_1328 = arith.subf %get3A_1298, %sub3A_1327 : vector<16xf32>
        %slice3A_1329 = vector.extract_strided_slice %get3A_76 {offsets = [1], sizes = [1], strides = [1]} : vector<16xf32> to vector<1xf32>
        %squeeze3A_1330 = vector.extract %slice3A_1329[0] : f32 from vector<1xf32>
        %sub3A_1331 = vector.broadcast %squeeze3A_1330 : f32 to vector<16xf32>
        %sub3A_1332 = arith.subf %get3A_1301, %sub3A_1331 : vector<16xf32>
        %slice3A_1333 = vector.extract_strided_slice %get3A_81 {offsets = [1], sizes = [1], strides = [1]} : vector<16xf32> to vector<1xf32>
        %squeeze3A_1334 = vector.extract %slice3A_1333[0] : f32 from vector<1xf32>
        %sub3A_1335 = vector.broadcast %squeeze3A_1334 : f32 to vector<16xf32>
        %sub3A_1336 = arith.subf %get3A_1304, %sub3A_1335 : vector<16xf32>
        %mul3A_1337 = arith.mulf %sub3A_1328, %sub3A_1328 : vector<16xf32>
        %mul3A_1338 = arith.mulf %sub3A_1332, %sub3A_1332 : vector<16xf32>
        %add3A_1339 = arith.addf %mul3A_1337, %mul3A_1338 : vector<16xf32>
        %mul3A_1340 = arith.mulf %sub3A_1336, %sub3A_1336 : vector<16xf32>
        %add3A_1341 = arith.addf %add3A_1339, %mul3A_1340 : vector<16xf32>
        %min3A_1342 = arith.minimumf %min3A_1323, %add3A_1341 : vector<16xf32>
        %min3A_1343 = arith.minimumf %scan3A_1279, %add3A_1341 : vector<16xf32>
        %slice3A_1344 = vector.extract_strided_slice %get3A_71 {offsets = [2], sizes = [1], strides = [1]} : vector<16xf32> to vector<1xf32>
        %squeeze3A_1345 = vector.extract %slice3A_1344[0] : f32 from vector<1xf32>
        %sub3A_1346 = vector.broadcast %squeeze3A_1345 : f32 to vector<16xf32>
        %sub3A_1347 = arith.subf %get3A_1298, %sub3A_1346 : vector<16xf32>
        %slice3A_1348 = vector.extract_strided_slice %get3A_76 {offsets = [2], sizes = [1], strides = [1]} : vector<16xf32> to vector<1xf32>
        %squeeze3A_1349 = vector.extract %slice3A_1348[0] : f32 from vector<1xf32>
        %sub3A_1350 = vector.broadcast %squeeze3A_1349 : f32 to vector<16xf32>
        %sub3A_1351 = arith.subf %get3A_1301, %sub3A_1350 : vector<16xf32>
        %slice3A_1352 = vector.extract_strided_slice %get3A_81 {offsets = [2], sizes = [1], strides = [1]} : vector<16xf32> to vector<1xf32>
        %squeeze3A_1353 = vector.extract %slice3A_1352[0] : f32 from vector<1xf32>
        %sub3A_1354 = vector.broadcast %squeeze3A_1353 : f32 to vector<16xf32>
        %sub3A_1355 = arith.subf %get3A_1304, %sub3A_1354 : vector<16xf32>
        %mul3A_1356 = arith.mulf %sub3A_1347, %sub3A_1347 : vector<16xf32>
        %mul3A_1357 = arith.mulf %sub3A_1351, %sub3A_1351 : vector<16xf32>
        %add3A_1358 = arith.addf %mul3A_1356, %mul3A_1357 : vector<16xf32>
        %mul3A_1359 = arith.mulf %sub3A_1355, %sub3A_1355 : vector<16xf32>
        %add3A_1360 = arith.addf %add3A_1358, %mul3A_1359 : vector<16xf32>
        %min3A_1361 = arith.minimumf %min3A_1342, %add3A_1360 : vector<16xf32>
        %min3A_1362 = arith.minimumf %scan3A_1280, %add3A_1360 : vector<16xf32>
        %slice3A_1363 = vector.extract_strided_slice %get3A_71 {offsets = [3], sizes = [1], strides = [1]} : vector<16xf32> to vector<1xf32>
        %squeeze3A_1364 = vector.extract %slice3A_1363[0] : f32 from vector<1xf32>
        %sub3A_1365 = vector.broadcast %squeeze3A_1364 : f32 to vector<16xf32>
        %sub3A_1366 = arith.subf %get3A_1298, %sub3A_1365 : vector<16xf32>
        %slice3A_1367 = vector.extract_strided_slice %get3A_76 {offsets = [3], sizes = [1], strides = [1]} : vector<16xf32> to vector<1xf32>
        %squeeze3A_1368 = vector.extract %slice3A_1367[0] : f32 from vector<1xf32>
        %sub3A_1369 = vector.broadcast %squeeze3A_1368 : f32 to vector<16xf32>
        %sub3A_1370 = arith.subf %get3A_1301, %sub3A_1369 : vector<16xf32>
        %slice3A_1371 = vector.extract_strided_slice %get3A_81 {offsets = [3], sizes = [1], strides = [1]} : vector<16xf32> to vector<1xf32>
        %squeeze3A_1372 = vector.extract %slice3A_1371[0] : f32 from vector<1xf32>
        %sub3A_1373 = vector.broadcast %squeeze3A_1372 : f32 to vector<16xf32>
        %sub3A_1374 = arith.subf %get3A_1304, %sub3A_1373 : vector<16xf32>
        %mul3A_1375 = arith.mulf %sub3A_1366, %sub3A_1366 : vector<16xf32>
        %mul3A_1376 = arith.mulf %sub3A_1370, %sub3A_1370 : vector<16xf32>
        %add3A_1377 = arith.addf %mul3A_1375, %mul3A_1376 : vector<16xf32>
        %mul3A_1378 = arith.mulf %sub3A_1374, %sub3A_1374 : vector<16xf32>
        %add3A_1379 = arith.addf %add3A_1377, %mul3A_1378 : vector<16xf32>
        %min3A_1380 = arith.minimumf %min3A_1361, %add3A_1379 : vector<16xf32>
        %min3A_1381 = arith.minimumf %scan3A_1281, %add3A_1379 : vector<16xf32>
        %slice3A_1382 = vector.extract_strided_slice %get3A_71 {offsets = [4], sizes = [1], strides = [1]} : vector<16xf32> to vector<1xf32>
        %squeeze3A_1383 = vector.extract %slice3A_1382[0] : f32 from vector<1xf32>
        %sub3A_1384 = vector.broadcast %squeeze3A_1383 : f32 to vector<16xf32>
        %sub3A_1385 = arith.subf %get3A_1298, %sub3A_1384 : vector<16xf32>
        %slice3A_1386 = vector.extract_strided_slice %get3A_76 {offsets = [4], sizes = [1], strides = [1]} : vector<16xf32> to vector<1xf32>
        %squeeze3A_1387 = vector.extract %slice3A_1386[0] : f32 from vector<1xf32>
        %sub3A_1388 = vector.broadcast %squeeze3A_1387 : f32 to vector<16xf32>
        %sub3A_1389 = arith.subf %get3A_1301, %sub3A_1388 : vector<16xf32>
        %slice3A_1390 = vector.extract_strided_slice %get3A_81 {offsets = [4], sizes = [1], strides = [1]} : vector<16xf32> to vector<1xf32>
        %squeeze3A_1391 = vector.extract %slice3A_1390[0] : f32 from vector<1xf32>
        %sub3A_1392 = vector.broadcast %squeeze3A_1391 : f32 to vector<16xf32>
        %sub3A_1393 = arith.subf %get3A_1304, %sub3A_1392 : vector<16xf32>
        %mul3A_1394 = arith.mulf %sub3A_1385, %sub3A_1385 : vector<16xf32>
        %mul3A_1395 = arith.mulf %sub3A_1389, %sub3A_1389 : vector<16xf32>
        %add3A_1396 = arith.addf %mul3A_1394, %mul3A_1395 : vector<16xf32>
        %mul3A_1397 = arith.mulf %sub3A_1393, %sub3A_1393 : vector<16xf32>
        %add3A_1398 = arith.addf %add3A_1396, %mul3A_1397 : vector<16xf32>
        %min3A_1399 = arith.minimumf %min3A_1380, %add3A_1398 : vector<16xf32>
        %min3A_1400 = arith.minimumf %scan3A_1282, %add3A_1398 : vector<16xf32>
        %slice3A_1401 = vector.extract_strided_slice %get3A_71 {offsets = [5], sizes = [1], strides = [1]} : vector<16xf32> to vector<1xf32>
        %squeeze3A_1402 = vector.extract %slice3A_1401[0] : f32 from vector<1xf32>
        %sub3A_1403 = vector.broadcast %squeeze3A_1402 : f32 to vector<16xf32>
        %sub3A_1404 = arith.subf %get3A_1298, %sub3A_1403 : vector<16xf32>
        %slice3A_1405 = vector.extract_strided_slice %get3A_76 {offsets = [5], sizes = [1], strides = [1]} : vector<16xf32> to vector<1xf32>
        %squeeze3A_1406 = vector.extract %slice3A_1405[0] : f32 from vector<1xf32>
        %sub3A_1407 = vector.broadcast %squeeze3A_1406 : f32 to vector<16xf32>
        %sub3A_1408 = arith.subf %get3A_1301, %sub3A_1407 : vector<16xf32>
        %slice3A_1409 = vector.extract_strided_slice %get3A_81 {offsets = [5], sizes = [1], strides = [1]} : vector<16xf32> to vector<1xf32>
        %squeeze3A_1410 = vector.extract %slice3A_1409[0] : f32 from vector<1xf32>
        %sub3A_1411 = vector.broadcast %squeeze3A_1410 : f32 to vector<16xf32>
        %sub3A_1412 = arith.subf %get3A_1304, %sub3A_1411 : vector<16xf32>
        %mul3A_1413 = arith.mulf %sub3A_1404, %sub3A_1404 : vector<16xf32>
        %mul3A_1414 = arith.mulf %sub3A_1408, %sub3A_1408 : vector<16xf32>
        %add3A_1415 = arith.addf %mul3A_1413, %mul3A_1414 : vector<16xf32>
        %mul3A_1416 = arith.mulf %sub3A_1412, %sub3A_1412 : vector<16xf32>
        %add3A_1417 = arith.addf %add3A_1415, %mul3A_1416 : vector<16xf32>
        %min3A_1418 = arith.minimumf %min3A_1399, %add3A_1417 : vector<16xf32>
        %min3A_1419 = arith.minimumf %scan3A_1283, %add3A_1417 : vector<16xf32>
        %slice3A_1420 = vector.extract_strided_slice %get3A_71 {offsets = [6], sizes = [1], strides = [1]} : vector<16xf32> to vector<1xf32>
        %squeeze3A_1421 = vector.extract %slice3A_1420[0] : f32 from vector<1xf32>
        %sub3A_1422 = vector.broadcast %squeeze3A_1421 : f32 to vector<16xf32>
        %sub3A_1423 = arith.subf %get3A_1298, %sub3A_1422 : vector<16xf32>
        %slice3A_1424 = vector.extract_strided_slice %get3A_76 {offsets = [6], sizes = [1], strides = [1]} : vector<16xf32> to vector<1xf32>
        %squeeze3A_1425 = vector.extract %slice3A_1424[0] : f32 from vector<1xf32>
        %sub3A_1426 = vector.broadcast %squeeze3A_1425 : f32 to vector<16xf32>
        %sub3A_1427 = arith.subf %get3A_1301, %sub3A_1426 : vector<16xf32>
        %slice3A_1428 = vector.extract_strided_slice %get3A_81 {offsets = [6], sizes = [1], strides = [1]} : vector<16xf32> to vector<1xf32>
        %squeeze3A_1429 = vector.extract %slice3A_1428[0] : f32 from vector<1xf32>
        %sub3A_1430 = vector.broadcast %squeeze3A_1429 : f32 to vector<16xf32>
        %sub3A_1431 = arith.subf %get3A_1304, %sub3A_1430 : vector<16xf32>
        %mul3A_1432 = arith.mulf %sub3A_1423, %sub3A_1423 : vector<16xf32>
        %mul3A_1433 = arith.mulf %sub3A_1427, %sub3A_1427 : vector<16xf32>
        %add3A_1434 = arith.addf %mul3A_1432, %mul3A_1433 : vector<16xf32>
        %mul3A_1435 = arith.mulf %sub3A_1431, %sub3A_1431 : vector<16xf32>
        %add3A_1436 = arith.addf %add3A_1434, %mul3A_1435 : vector<16xf32>
        %min3A_1437 = arith.minimumf %min3A_1418, %add3A_1436 : vector<16xf32>
        %min3A_1438 = arith.minimumf %scan3A_1284, %add3A_1436 : vector<16xf32>
        %slice3A_1439 = vector.extract_strided_slice %get3A_71 {offsets = [7], sizes = [1], strides = [1]} : vector<16xf32> to vector<1xf32>
        %squeeze3A_1440 = vector.extract %slice3A_1439[0] : f32 from vector<1xf32>
        %sub3A_1441 = vector.broadcast %squeeze3A_1440 : f32 to vector<16xf32>
        %sub3A_1442 = arith.subf %get3A_1298, %sub3A_1441 : vector<16xf32>
        %slice3A_1443 = vector.extract_strided_slice %get3A_76 {offsets = [7], sizes = [1], strides = [1]} : vector<16xf32> to vector<1xf32>
        %squeeze3A_1444 = vector.extract %slice3A_1443[0] : f32 from vector<1xf32>
        %sub3A_1445 = vector.broadcast %squeeze3A_1444 : f32 to vector<16xf32>
        %sub3A_1446 = arith.subf %get3A_1301, %sub3A_1445 : vector<16xf32>
        %slice3A_1447 = vector.extract_strided_slice %get3A_81 {offsets = [7], sizes = [1], strides = [1]} : vector<16xf32> to vector<1xf32>
        %squeeze3A_1448 = vector.extract %slice3A_1447[0] : f32 from vector<1xf32>
        %sub3A_1449 = vector.broadcast %squeeze3A_1448 : f32 to vector<16xf32>
        %sub3A_1450 = arith.subf %get3A_1304, %sub3A_1449 : vector<16xf32>
        %mul3A_1451 = arith.mulf %sub3A_1442, %sub3A_1442 : vector<16xf32>
        %mul3A_1452 = arith.mulf %sub3A_1446, %sub3A_1446 : vector<16xf32>
        %add3A_1453 = arith.addf %mul3A_1451, %mul3A_1452 : vector<16xf32>
        %mul3A_1454 = arith.mulf %sub3A_1450, %sub3A_1450 : vector<16xf32>
        %add3A_1455 = arith.addf %add3A_1453, %mul3A_1454 : vector<16xf32>
        %min3A_1456 = arith.minimumf %min3A_1437, %add3A_1455 : vector<16xf32>
        %min3A_1457 = arith.minimumf %scan3A_1285, %add3A_1455 : vector<16xf32>
        %slice3A_1458 = vector.extract_strided_slice %get3A_71 {offsets = [8], sizes = [1], strides = [1]} : vector<16xf32> to vector<1xf32>
        %squeeze3A_1459 = vector.extract %slice3A_1458[0] : f32 from vector<1xf32>
        %sub3A_1460 = vector.broadcast %squeeze3A_1459 : f32 to vector<16xf32>
        %sub3A_1461 = arith.subf %get3A_1298, %sub3A_1460 : vector<16xf32>
        %slice3A_1462 = vector.extract_strided_slice %get3A_76 {offsets = [8], sizes = [1], strides = [1]} : vector<16xf32> to vector<1xf32>
        %squeeze3A_1463 = vector.extract %slice3A_1462[0] : f32 from vector<1xf32>
        %sub3A_1464 = vector.broadcast %squeeze3A_1463 : f32 to vector<16xf32>
        %sub3A_1465 = arith.subf %get3A_1301, %sub3A_1464 : vector<16xf32>
        %slice3A_1466 = vector.extract_strided_slice %get3A_81 {offsets = [8], sizes = [1], strides = [1]} : vector<16xf32> to vector<1xf32>
        %squeeze3A_1467 = vector.extract %slice3A_1466[0] : f32 from vector<1xf32>
        %sub3A_1468 = vector.broadcast %squeeze3A_1467 : f32 to vector<16xf32>
        %sub3A_1469 = arith.subf %get3A_1304, %sub3A_1468 : vector<16xf32>
        %mul3A_1470 = arith.mulf %sub3A_1461, %sub3A_1461 : vector<16xf32>
        %mul3A_1471 = arith.mulf %sub3A_1465, %sub3A_1465 : vector<16xf32>
        %add3A_1472 = arith.addf %mul3A_1470, %mul3A_1471 : vector<16xf32>
        %mul3A_1473 = arith.mulf %sub3A_1469, %sub3A_1469 : vector<16xf32>
        %add3A_1474 = arith.addf %add3A_1472, %mul3A_1473 : vector<16xf32>
        %min3A_1475 = arith.minimumf %min3A_1456, %add3A_1474 : vector<16xf32>
        %min3A_1476 = arith.minimumf %scan3A_1286, %add3A_1474 : vector<16xf32>
        %slice3A_1477 = vector.extract_strided_slice %get3A_71 {offsets = [9], sizes = [1], strides = [1]} : vector<16xf32> to vector<1xf32>
        %squeeze3A_1478 = vector.extract %slice3A_1477[0] : f32 from vector<1xf32>
        %sub3A_1479 = vector.broadcast %squeeze3A_1478 : f32 to vector<16xf32>
        %sub3A_1480 = arith.subf %get3A_1298, %sub3A_1479 : vector<16xf32>
        %slice3A_1481 = vector.extract_strided_slice %get3A_76 {offsets = [9], sizes = [1], strides = [1]} : vector<16xf32> to vector<1xf32>
        %squeeze3A_1482 = vector.extract %slice3A_1481[0] : f32 from vector<1xf32>
        %sub3A_1483 = vector.broadcast %squeeze3A_1482 : f32 to vector<16xf32>
        %sub3A_1484 = arith.subf %get3A_1301, %sub3A_1483 : vector<16xf32>
        %slice3A_1485 = vector.extract_strided_slice %get3A_81 {offsets = [9], sizes = [1], strides = [1]} : vector<16xf32> to vector<1xf32>
        %squeeze3A_1486 = vector.extract %slice3A_1485[0] : f32 from vector<1xf32>
        %sub3A_1487 = vector.broadcast %squeeze3A_1486 : f32 to vector<16xf32>
        %sub3A_1488 = arith.subf %get3A_1304, %sub3A_1487 : vector<16xf32>
        %mul3A_1489 = arith.mulf %sub3A_1480, %sub3A_1480 : vector<16xf32>
        %mul3A_1490 = arith.mulf %sub3A_1484, %sub3A_1484 : vector<16xf32>
        %add3A_1491 = arith.addf %mul3A_1489, %mul3A_1490 : vector<16xf32>
        %mul3A_1492 = arith.mulf %sub3A_1488, %sub3A_1488 : vector<16xf32>
        %add3A_1493 = arith.addf %add3A_1491, %mul3A_1492 : vector<16xf32>
        %min3A_1494 = arith.minimumf %min3A_1475, %add3A_1493 : vector<16xf32>
        %min3A_1495 = arith.minimumf %scan3A_1287, %add3A_1493 : vector<16xf32>
        %slice3A_1496 = vector.extract_strided_slice %get3A_71 {offsets = [10], sizes = [1], strides = [1]} : vector<16xf32> to vector<1xf32>
        %squeeze3A_1497 = vector.extract %slice3A_1496[0] : f32 from vector<1xf32>
        %sub3A_1498 = vector.broadcast %squeeze3A_1497 : f32 to vector<16xf32>
        %sub3A_1499 = arith.subf %get3A_1298, %sub3A_1498 : vector<16xf32>
        %slice3A_1500 = vector.extract_strided_slice %get3A_76 {offsets = [10], sizes = [1], strides = [1]} : vector<16xf32> to vector<1xf32>
        %squeeze3A_1501 = vector.extract %slice3A_1500[0] : f32 from vector<1xf32>
        %sub3A_1502 = vector.broadcast %squeeze3A_1501 : f32 to vector<16xf32>
        %sub3A_1503 = arith.subf %get3A_1301, %sub3A_1502 : vector<16xf32>
        %slice3A_1504 = vector.extract_strided_slice %get3A_81 {offsets = [10], sizes = [1], strides = [1]} : vector<16xf32> to vector<1xf32>
        %squeeze3A_1505 = vector.extract %slice3A_1504[0] : f32 from vector<1xf32>
        %sub3A_1506 = vector.broadcast %squeeze3A_1505 : f32 to vector<16xf32>
        %sub3A_1507 = arith.subf %get3A_1304, %sub3A_1506 : vector<16xf32>
        %mul3A_1508 = arith.mulf %sub3A_1499, %sub3A_1499 : vector<16xf32>
        %mul3A_1509 = arith.mulf %sub3A_1503, %sub3A_1503 : vector<16xf32>
        %add3A_1510 = arith.addf %mul3A_1508, %mul3A_1509 : vector<16xf32>
        %mul3A_1511 = arith.mulf %sub3A_1507, %sub3A_1507 : vector<16xf32>
        %add3A_1512 = arith.addf %add3A_1510, %mul3A_1511 : vector<16xf32>
        %min3A_1513 = arith.minimumf %min3A_1494, %add3A_1512 : vector<16xf32>
        %min3A_1514 = arith.minimumf %scan3A_1288, %add3A_1512 : vector<16xf32>
        %slice3A_1515 = vector.extract_strided_slice %get3A_71 {offsets = [11], sizes = [1], strides = [1]} : vector<16xf32> to vector<1xf32>
        %squeeze3A_1516 = vector.extract %slice3A_1515[0] : f32 from vector<1xf32>
        %sub3A_1517 = vector.broadcast %squeeze3A_1516 : f32 to vector<16xf32>
        %sub3A_1518 = arith.subf %get3A_1298, %sub3A_1517 : vector<16xf32>
        %slice3A_1519 = vector.extract_strided_slice %get3A_76 {offsets = [11], sizes = [1], strides = [1]} : vector<16xf32> to vector<1xf32>
        %squeeze3A_1520 = vector.extract %slice3A_1519[0] : f32 from vector<1xf32>
        %sub3A_1521 = vector.broadcast %squeeze3A_1520 : f32 to vector<16xf32>
        %sub3A_1522 = arith.subf %get3A_1301, %sub3A_1521 : vector<16xf32>
        %slice3A_1523 = vector.extract_strided_slice %get3A_81 {offsets = [11], sizes = [1], strides = [1]} : vector<16xf32> to vector<1xf32>
        %squeeze3A_1524 = vector.extract %slice3A_1523[0] : f32 from vector<1xf32>
        %sub3A_1525 = vector.broadcast %squeeze3A_1524 : f32 to vector<16xf32>
        %sub3A_1526 = arith.subf %get3A_1304, %sub3A_1525 : vector<16xf32>
        %mul3A_1527 = arith.mulf %sub3A_1518, %sub3A_1518 : vector<16xf32>
        %mul3A_1528 = arith.mulf %sub3A_1522, %sub3A_1522 : vector<16xf32>
        %add3A_1529 = arith.addf %mul3A_1527, %mul3A_1528 : vector<16xf32>
        %mul3A_1530 = arith.mulf %sub3A_1526, %sub3A_1526 : vector<16xf32>
        %add3A_1531 = arith.addf %add3A_1529, %mul3A_1530 : vector<16xf32>
        %min3A_1532 = arith.minimumf %min3A_1513, %add3A_1531 : vector<16xf32>
        %min3A_1533 = arith.minimumf %scan3A_1289, %add3A_1531 : vector<16xf32>
        %slice3A_1534 = vector.extract_strided_slice %get3A_71 {offsets = [12], sizes = [1], strides = [1]} : vector<16xf32> to vector<1xf32>
        %squeeze3A_1535 = vector.extract %slice3A_1534[0] : f32 from vector<1xf32>
        %sub3A_1536 = vector.broadcast %squeeze3A_1535 : f32 to vector<16xf32>
        %sub3A_1537 = arith.subf %get3A_1298, %sub3A_1536 : vector<16xf32>
        %slice3A_1538 = vector.extract_strided_slice %get3A_76 {offsets = [12], sizes = [1], strides = [1]} : vector<16xf32> to vector<1xf32>
        %squeeze3A_1539 = vector.extract %slice3A_1538[0] : f32 from vector<1xf32>
        %sub3A_1540 = vector.broadcast %squeeze3A_1539 : f32 to vector<16xf32>
        %sub3A_1541 = arith.subf %get3A_1301, %sub3A_1540 : vector<16xf32>
        %slice3A_1542 = vector.extract_strided_slice %get3A_81 {offsets = [12], sizes = [1], strides = [1]} : vector<16xf32> to vector<1xf32>
        %squeeze3A_1543 = vector.extract %slice3A_1542[0] : f32 from vector<1xf32>
        %sub3A_1544 = vector.broadcast %squeeze3A_1543 : f32 to vector<16xf32>
        %sub3A_1545 = arith.subf %get3A_1304, %sub3A_1544 : vector<16xf32>
        %mul3A_1546 = arith.mulf %sub3A_1537, %sub3A_1537 : vector<16xf32>
        %mul3A_1547 = arith.mulf %sub3A_1541, %sub3A_1541 : vector<16xf32>
        %add3A_1548 = arith.addf %mul3A_1546, %mul3A_1547 : vector<16xf32>
        %mul3A_1549 = arith.mulf %sub3A_1545, %sub3A_1545 : vector<16xf32>
        %add3A_1550 = arith.addf %add3A_1548, %mul3A_1549 : vector<16xf32>
        %min3A_1551 = arith.minimumf %min3A_1532, %add3A_1550 : vector<16xf32>
        %min3A_1552 = arith.minimumf %scan3A_1290, %add3A_1550 : vector<16xf32>
        %slice3A_1553 = vector.extract_strided_slice %get3A_71 {offsets = [13], sizes = [1], strides = [1]} : vector<16xf32> to vector<1xf32>
        %squeeze3A_1554 = vector.extract %slice3A_1553[0] : f32 from vector<1xf32>
        %sub3A_1555 = vector.broadcast %squeeze3A_1554 : f32 to vector<16xf32>
        %sub3A_1556 = arith.subf %get3A_1298, %sub3A_1555 : vector<16xf32>
        %slice3A_1557 = vector.extract_strided_slice %get3A_76 {offsets = [13], sizes = [1], strides = [1]} : vector<16xf32> to vector<1xf32>
        %squeeze3A_1558 = vector.extract %slice3A_1557[0] : f32 from vector<1xf32>
        %sub3A_1559 = vector.broadcast %squeeze3A_1558 : f32 to vector<16xf32>
        %sub3A_1560 = arith.subf %get3A_1301, %sub3A_1559 : vector<16xf32>
        %slice3A_1561 = vector.extract_strided_slice %get3A_81 {offsets = [13], sizes = [1], strides = [1]} : vector<16xf32> to vector<1xf32>
        %squeeze3A_1562 = vector.extract %slice3A_1561[0] : f32 from vector<1xf32>
        %sub3A_1563 = vector.broadcast %squeeze3A_1562 : f32 to vector<16xf32>
        %sub3A_1564 = arith.subf %get3A_1304, %sub3A_1563 : vector<16xf32>
        %mul3A_1565 = arith.mulf %sub3A_1556, %sub3A_1556 : vector<16xf32>
        %mul3A_1566 = arith.mulf %sub3A_1560, %sub3A_1560 : vector<16xf32>
        %add3A_1567 = arith.addf %mul3A_1565, %mul3A_1566 : vector<16xf32>
        %mul3A_1568 = arith.mulf %sub3A_1564, %sub3A_1564 : vector<16xf32>
        %add3A_1569 = arith.addf %add3A_1567, %mul3A_1568 : vector<16xf32>
        %min3A_1570 = arith.minimumf %min3A_1551, %add3A_1569 : vector<16xf32>
        %min3A_1571 = arith.minimumf %scan3A_1291, %add3A_1569 : vector<16xf32>
        %slice3A_1572 = vector.extract_strided_slice %get3A_71 {offsets = [14], sizes = [1], strides = [1]} : vector<16xf32> to vector<1xf32>
        %squeeze3A_1573 = vector.extract %slice3A_1572[0] : f32 from vector<1xf32>
        %sub3A_1574 = vector.broadcast %squeeze3A_1573 : f32 to vector<16xf32>
        %sub3A_1575 = arith.subf %get3A_1298, %sub3A_1574 : vector<16xf32>
        %slice3A_1576 = vector.extract_strided_slice %get3A_76 {offsets = [14], sizes = [1], strides = [1]} : vector<16xf32> to vector<1xf32>
        %squeeze3A_1577 = vector.extract %slice3A_1576[0] : f32 from vector<1xf32>
        %sub3A_1578 = vector.broadcast %squeeze3A_1577 : f32 to vector<16xf32>
        %sub3A_1579 = arith.subf %get3A_1301, %sub3A_1578 : vector<16xf32>
        %slice3A_1580 = vector.extract_strided_slice %get3A_81 {offsets = [14], sizes = [1], strides = [1]} : vector<16xf32> to vector<1xf32>
        %squeeze3A_1581 = vector.extract %slice3A_1580[0] : f32 from vector<1xf32>
        %sub3A_1582 = vector.broadcast %squeeze3A_1581 : f32 to vector<16xf32>
        %sub3A_1583 = arith.subf %get3A_1304, %sub3A_1582 : vector<16xf32>
        %mul3A_1584 = arith.mulf %sub3A_1575, %sub3A_1575 : vector<16xf32>
        %mul3A_1585 = arith.mulf %sub3A_1579, %sub3A_1579 : vector<16xf32>
        %add3A_1586 = arith.addf %mul3A_1584, %mul3A_1585 : vector<16xf32>
        %mul3A_1587 = arith.mulf %sub3A_1583, %sub3A_1583 : vector<16xf32>
        %add3A_1588 = arith.addf %add3A_1586, %mul3A_1587 : vector<16xf32>
        %min3A_1589 = arith.minimumf %min3A_1570, %add3A_1588 : vector<16xf32>
        %min3A_1590 = arith.minimumf %scan3A_1292, %add3A_1588 : vector<16xf32>
        %slice3A_1591 = vector.extract_strided_slice %get3A_71 {offsets = [15], sizes = [1], strides = [1]} : vector<16xf32> to vector<1xf32>
        %squeeze3A_1592 = vector.extract %slice3A_1591[0] : f32 from vector<1xf32>
        %sub3A_1593 = vector.broadcast %squeeze3A_1592 : f32 to vector<16xf32>
        %sub3A_1594 = arith.subf %get3A_1298, %sub3A_1593 : vector<16xf32>
        %slice3A_1595 = vector.extract_strided_slice %get3A_76 {offsets = [15], sizes = [1], strides = [1]} : vector<16xf32> to vector<1xf32>
        %squeeze3A_1596 = vector.extract %slice3A_1595[0] : f32 from vector<1xf32>
        %sub3A_1597 = vector.broadcast %squeeze3A_1596 : f32 to vector<16xf32>
        %sub3A_1598 = arith.subf %get3A_1301, %sub3A_1597 : vector<16xf32>
        %slice3A_1599 = vector.extract_strided_slice %get3A_81 {offsets = [15], sizes = [1], strides = [1]} : vector<16xf32> to vector<1xf32>
        %squeeze3A_1600 = vector.extract %slice3A_1599[0] : f32 from vector<1xf32>
        %sub3A_1601 = vector.broadcast %squeeze3A_1600 : f32 to vector<16xf32>
        %sub3A_1602 = arith.subf %get3A_1304, %sub3A_1601 : vector<16xf32>
        %mul3A_1603 = arith.mulf %sub3A_1594, %sub3A_1594 : vector<16xf32>
        %mul3A_1604 = arith.mulf %sub3A_1598, %sub3A_1598 : vector<16xf32>
        %add3A_1605 = arith.addf %mul3A_1603, %mul3A_1604 : vector<16xf32>
        %mul3A_1606 = arith.mulf %sub3A_1602, %sub3A_1602 : vector<16xf32>
        %add3A_1607 = arith.addf %add3A_1605, %mul3A_1606 : vector<16xf32>
        %min3A_1608 = arith.minimumf %min3A_1589, %add3A_1607 : vector<16xf32>
        %min3A_1609 = arith.minimumf %scan3A_1293, %add3A_1607 : vector<16xf32>
        %swap3A_1610 = arith.index_cast %mul3A_1295 : i32 to index
        %swap3A_1611 = tpu.vector_load %arg16[%swap3A_1610] {strides = array<i32>} : memref<2048xf32, #tpu.memory_space<vmem>>, vector<16xf32>,
        %swap3A_1612 = vector.shape_cast %swap3A_1611 : vector<16xf32> to vector<16xf32>
        %swap3A_1613 = vector.shape_cast %min3A_1608 : vector<16xf32> to vector<16xf32>
        tpu.vector_store %arg16[%swap3A_1610], %swap3A_1613 {strides = array<i32>} : memref<2048xf32, #tpu.memory_space<vmem>>, vector<16xf32>,
        scf.yield %min3A_1324, %min3A_1343, %min3A_1362, %min3A_1381, %min3A_1400, %min3A_1419, %min3A_1438, %min3A_1457, %min3A_1476, %min3A_1495, %min3A_1514, %min3A_1533, %min3A_1552, %min3A_1571, %min3A_1590, %min3A_1609 : vector<16xf32>, vector<16xf32>, vector<16xf32>, vector<16xf32>, vector<16xf32>, vector<16xf32>, vector<16xf32>, vector<16xf32>, vector<16xf32>, vector<16xf32>, vector<16xf32>, vector<16xf32>, vector<16xf32>, vector<16xf32>, vector<16xf32>, vector<16xf32>
      }
      %scan3A_118 = arith.constant 128 : i32
      %broadcast_in_dim3A_119 = arith.constant 3.000000e+38 : f32
      %broadcast_in_dim3A_120 = vector.broadcast %broadcast_in_dim3A_119 : f32 to vector<16xf32>
      %eq3A_121 = arith.constant 0 : i32
      %eq3A_122 = vector.broadcast %eq3A_121 : i32 to vector<16xi32>
      %eq3A_123 = arith.cmpi eq, %iota3A, %eq3A_122 : vector<16xi32>
      %add3A_124 = arith.constant 8 : i32
      %add3A_125 = vector.broadcast %add3A_124 : i32 to vector<16xi32>
      %add3A_126 = arith.addi %iota3A, %add3A_125 : vector<16xi32>
      %and3A_127 = arith.constant 15 : i32
      %and3A_128 = vector.broadcast %and3A_127 : i32 to vector<16xi32>
      %and3A_129 = arith.andi %add3A_126, %and3A_128 : vector<16xi32>
      %lt3A_130 = arith.constant 0 : i32
      %lt3A_131 = vector.broadcast %lt3A_130 : i32 to vector<16xi32>
      %lt3A_132 = arith.cmpi slt, %and3A_129, %lt3A_131 : vector<16xi32>
      %add3A_133 = arith.constant 16 : i32
      %add3A_134 = vector.broadcast %add3A_133 : i32 to vector<16xi32>
      %add3A_135 = arith.addi %and3A_129, %add3A_134 : vector<16xi32>
      %select_n3A_136 = arith.select %lt3A_132, %add3A_135, %and3A_129 : vector<16xi1>, vector<16xi32>
      %broadcast_in_dim3A_137 = vector.shape_cast %select_n3A_136 : vector<16xi32> to vector<16x1xi32>
      %gather3A = vector.shape_cast %broadcast_in_dim3A_137 : vector<16x1xi32> to vector<16xi32>
      %gather3A_138 = tpu.dynamic_gather %scan3A_117#0[%gather3A] in [0] : vector<16xf32>, vector<16xi32> -> vector<16xf32>
      %min3A = arith.minimumf %scan3A_117#0, %gather3A_138 : vector<16xf32>
      %add3A_139 = arith.constant 4 : i32
      %add3A_140 = vector.broadcast %add3A_139 : i32 to vector<16xi32>
      %add3A_141 = arith.addi %iota3A, %add3A_140 : vector<16xi32>
      %and3A_142 = arith.constant 15 : i32
      %and3A_143 = vector.broadcast %and3A_142 : i32 to vector<16xi32>
      %and3A_144 = arith.andi %add3A_141, %and3A_143 : vector<16xi32>
      %lt3A_145 = arith.constant 0 : i32
      %lt3A_146 = vector.broadcast %lt3A_145 : i32 to vector<16xi32>
      %lt3A_147 = arith.cmpi slt, %and3A_144, %lt3A_146 : vector<16xi32>
      %add3A_148 = arith.constant 16 : i32
      %add3A_149 = vector.broadcast %add3A_148 : i32 to vector<16xi32>
      %add3A_150 = arith.addi %and3A_144, %add3A_149 : vector<16xi32>
      %select_n3A_151 = arith.select %lt3A_147, %add3A_150, %and3A_144 : vector<16xi1>, vector<16xi32>
      %broadcast_in_dim3A_152 = vector.shape_cast %select_n3A_151 : vector<16xi32> to vector<16x1xi32>
      %gather3A_153 = vector.shape_cast %broadcast_in_dim3A_152 : vector<16x1xi32> to vector<16xi32>
      %gather3A_154 = tpu.dynamic_gather %min3A[%gather3A_153] in [0] : vector<16xf32>, vector<16xi32> -> vector<16xf32>
      %min3A_155 = arith.minimumf %min3A, %gather3A_154 : vector<16xf32>
      %add3A_156 = arith.constant 2 : i32
      %add3A_157 = vector.broadcast %add3A_156 : i32 to vector<16xi32>
      %add3A_158 = arith.addi %iota3A, %add3A_157 : vector<16xi32>
      %and3A_159 = arith.constant 15 : i32
      %and3A_160 = vector.broadcast %and3A_159 : i32 to vector<16xi32>
      %and3A_161 = arith.andi %add3A_158, %and3A_160 : vector<16xi32>
      %lt3A_162 = arith.constant 0 : i32
      %lt3A_163 = vector.broadcast %lt3A_162 : i32 to vector<16xi32>
      %lt3A_164 = arith.cmpi slt, %and3A_161, %lt3A_163 : vector<16xi32>
      %add3A_165 = arith.constant 16 : i32
      %add3A_166 = vector.broadcast %add3A_165 : i32 to vector<16xi32>
      %add3A_167 = arith.addi %and3A_161, %add3A_166 : vector<16xi32>
      %select_n3A_168 = arith.select %lt3A_164, %add3A_167, %and3A_161 : vector<16xi1>, vector<16xi32>
      %broadcast_in_dim3A_169 = vector.shape_cast %select_n3A_168 : vector<16xi32> to vector<16x1xi32>
      %gather3A_170 = vector.shape_cast %broadcast_in_dim3A_169 : vector<16x1xi32> to vector<16xi32>
      %gather3A_171 = tpu.dynamic_gather %min3A_155[%gather3A_170] in [0] : vector<16xf32>, vector<16xi32> -> vector<16xf32>
      %min3A_172 = arith.minimumf %min3A_155, %gather3A_171 : vector<16xf32>
      %add3A_173 = arith.constant 1 : i32
      %add3A_174 = vector.broadcast %add3A_173 : i32 to vector<16xi32>
      %add3A_175 = arith.addi %iota3A, %add3A_174 : vector<16xi32>
      %and3A_176 = arith.constant 15 : i32
      %and3A_177 = vector.broadcast %and3A_176 : i32 to vector<16xi32>
      %and3A_178 = arith.andi %add3A_175, %and3A_177 : vector<16xi32>
      %lt3A_179 = arith.constant 0 : i32
      %lt3A_180 = vector.broadcast %lt3A_179 : i32 to vector<16xi32>
      %lt3A_181 = arith.cmpi slt, %and3A_178, %lt3A_180 : vector<16xi32>
      %add3A_182 = arith.constant 16 : i32
      %add3A_183 = vector.broadcast %add3A_182 : i32 to vector<16xi32>
      %add3A_184 = arith.addi %and3A_178, %add3A_183 : vector<16xi32>
      %select_n3A_185 = arith.select %lt3A_181, %add3A_184, %and3A_178 : vector<16xi1>, vector<16xi32>
      %broadcast_in_dim3A_186 = vector.shape_cast %select_n3A_185 : vector<16xi32> to vector<16x1xi32>
      %gather3A_187 = vector.shape_cast %broadcast_in_dim3A_186 : vector<16x1xi32> to vector<16xi32>
      %gather3A_188 = tpu.dynamic_gather %min3A_172[%gather3A_187] in [0] : vector<16xf32>, vector<16xi32> -> vector<16xf32>
      %min3A_189 = arith.minimumf %min3A_172, %gather3A_188 : vector<16xf32>
      %select_n3A_190 = arith.select %eq3A_123, %min3A_189, %broadcast_in_dim3A_120 : vector<16xi1>, vector<16xf32>
      %eq3A_191 = arith.constant 1 : i32
      %eq3A_192 = vector.broadcast %eq3A_191 : i32 to vector<16xi32>
      %eq3A_193 = arith.cmpi eq, %iota3A, %eq3A_192 : vector<16xi32>
      %add3A_194 = arith.constant 8 : i32
      %add3A_195 = vector.broadcast %add3A_194 : i32 to vector<16xi32>
      %add3A_196 = arith.addi %iota3A, %add3A_195 : vector<16xi32>
      %and3A_197 = arith.constant 15 : i32
      %and3A_198 = vector.broadcast %and3A_197 : i32 to vector<16xi32>
      %and3A_199 = arith.andi %add3A_196, %and3A_198 : vector<16xi32>
      %lt3A_200 = arith.constant 0 : i32
      %lt3A_201 = vector.broadcast %lt3A_200 : i32 to vector<16xi32>
      %lt3A_202 = arith.cmpi slt, %and3A_199, %lt3A_201 : vector<16xi32>
      %add3A_203 = arith.constant 16 : i32
      %add3A_204 = vector.broadcast %add3A_203 : i32 to vector<16xi32>
      %add3A_205 = arith.addi %and3A_199, %add3A_204 : vector<16xi32>
      %select_n3A_206 = arith.select %lt3A_202, %add3A_205, %and3A_199 : vector<16xi1>, vector<16xi32>
      %broadcast_in_dim3A_207 = vector.shape_cast %select_n3A_206 : vector<16xi32> to vector<16x1xi32>
      %gather3A_208 = vector.shape_cast %broadcast_in_dim3A_207 : vector<16x1xi32> to vector<16xi32>
      %gather3A_209 = tpu.dynamic_gather %scan3A_117#1[%gather3A_208] in [0] : vector<16xf32>, vector<16xi32> -> vector<16xf32>
      %min3A_210 = arith.minimumf %scan3A_117#1, %gather3A_209 : vector<16xf32>
      %add3A_211 = arith.constant 4 : i32
      %add3A_212 = vector.broadcast %add3A_211 : i32 to vector<16xi32>
      %add3A_213 = arith.addi %iota3A, %add3A_212 : vector<16xi32>
      %and3A_214 = arith.constant 15 : i32
      %and3A_215 = vector.broadcast %and3A_214 : i32 to vector<16xi32>
      %and3A_216 = arith.andi %add3A_213, %and3A_215 : vector<16xi32>
      %lt3A_217 = arith.constant 0 : i32
      %lt3A_218 = vector.broadcast %lt3A_217 : i32 to vector<16xi32>
      %lt3A_219 = arith.cmpi slt, %and3A_216, %lt3A_218 : vector<16xi32>
      %add3A_220 = arith.constant 16 : i32
      %add3A_221 = vector.broadcast %add3A_220 : i32 to vector<16xi32>
      %add3A_222 = arith.addi %and3A_216, %add3A_221 : vector<16xi32>
      %select_n3A_223 = arith.select %lt3A_219, %add3A_222, %and3A_216 : vector<16xi1>, vector<16xi32>
      %broadcast_in_dim3A_224 = vector.shape_cast %select_n3A_223 : vector<16xi32> to vector<16x1xi32>
      %gather3A_225 = vector.shape_cast %broadcast_in_dim3A_224 : vector<16x1xi32> to vector<16xi32>
      %gather3A_226 = tpu.dynamic_gather %min3A_210[%gather3A_225] in [0] : vector<16xf32>, vector<16xi32> -> vector<16xf32>
      %min3A_227 = arith.minimumf %min3A_210, %gather3A_226 : vector<16xf32>
      %add3A_228 = arith.constant 2 : i32
      %add3A_229 = vector.broadcast %add3A_228 : i32 to vector<16xi32>
      %add3A_230 = arith.addi %iota3A, %add3A_229 : vector<16xi32>
      %and3A_231 = arith.constant 15 : i32
      %and3A_232 = vector.broadcast %and3A_231 : i32 to vector<16xi32>
      %and3A_233 = arith.andi %add3A_230, %and3A_232 : vector<16xi32>
      %lt3A_234 = arith.constant 0 : i32
      %lt3A_235 = vector.broadcast %lt3A_234 : i32 to vector<16xi32>
      %lt3A_236 = arith.cmpi slt, %and3A_233, %lt3A_235 : vector<16xi32>
      %add3A_237 = arith.constant 16 : i32
      %add3A_238 = vector.broadcast %add3A_237 : i32 to vector<16xi32>
      %add3A_239 = arith.addi %and3A_233, %add3A_238 : vector<16xi32>
      %select_n3A_240 = arith.select %lt3A_236, %add3A_239, %and3A_233 : vector<16xi1>, vector<16xi32>
      %broadcast_in_dim3A_241 = vector.shape_cast %select_n3A_240 : vector<16xi32> to vector<16x1xi32>
      %gather3A_242 = vector.shape_cast %broadcast_in_dim3A_241 : vector<16x1xi32> to vector<16xi32>
      %gather3A_243 = tpu.dynamic_gather %min3A_227[%gather3A_242] in [0] : vector<16xf32>, vector<16xi32> -> vector<16xf32>
      %min3A_244 = arith.minimumf %min3A_227, %gather3A_243 : vector<16xf32>
      %add3A_245 = arith.constant 1 : i32
      %add3A_246 = vector.broadcast %add3A_245 : i32 to vector<16xi32>
      %add3A_247 = arith.addi %iota3A, %add3A_246 : vector<16xi32>
      %and3A_248 = arith.constant 15 : i32
      %and3A_249 = vector.broadcast %and3A_248 : i32 to vector<16xi32>
      %and3A_250 = arith.andi %add3A_247, %and3A_249 : vector<16xi32>
      %lt3A_251 = arith.constant 0 : i32
      %lt3A_252 = vector.broadcast %lt3A_251 : i32 to vector<16xi32>
      %lt3A_253 = arith.cmpi slt, %and3A_250, %lt3A_252 : vector<16xi32>
      %add3A_254 = arith.constant 16 : i32
      %add3A_255 = vector.broadcast %add3A_254 : i32 to vector<16xi32>
      %add3A_256 = arith.addi %and3A_250, %add3A_255 : vector<16xi32>
      %select_n3A_257 = arith.select %lt3A_253, %add3A_256, %and3A_250 : vector<16xi1>, vector<16xi32>
      %broadcast_in_dim3A_258 = vector.shape_cast %select_n3A_257 : vector<16xi32> to vector<16x1xi32>
      %gather3A_259 = vector.shape_cast %broadcast_in_dim3A_258 : vector<16x1xi32> to vector<16xi32>
      %gather3A_260 = tpu.dynamic_gather %min3A_244[%gather3A_259] in [0] : vector<16xf32>, vector<16xi32> -> vector<16xf32>
      %min3A_261 = arith.minimumf %min3A_244, %gather3A_260 : vector<16xf32>
      %select_n3A_262 = arith.select %eq3A_193, %min3A_261, %select_n3A_190 : vector<16xi1>, vector<16xf32>
      %eq3A_263 = arith.constant 2 : i32
      %eq3A_264 = vector.broadcast %eq3A_263 : i32 to vector<16xi32>
      %eq3A_265 = arith.cmpi eq, %iota3A, %eq3A_264 : vector<16xi32>
      %add3A_266 = arith.constant 8 : i32
      %add3A_267 = vector.broadcast %add3A_266 : i32 to vector<16xi32>
      %add3A_268 = arith.addi %iota3A, %add3A_267 : vector<16xi32>
      %and3A_269 = arith.constant 15 : i32
      %and3A_270 = vector.broadcast %and3A_269 : i32 to vector<16xi32>
      %and3A_271 = arith.andi %add3A_268, %and3A_270 : vector<16xi32>
      %lt3A_272 = arith.constant 0 : i32
      %lt3A_273 = vector.broadcast %lt3A_272 : i32 to vector<16xi32>
      %lt3A_274 = arith.cmpi slt, %and3A_271, %lt3A_273 : vector<16xi32>
      %add3A_275 = arith.constant 16 : i32
      %add3A_276 = vector.broadcast %add3A_275 : i32 to vector<16xi32>
      %add3A_277 = arith.addi %and3A_271, %add3A_276 : vector<16xi32>
      %select_n3A_278 = arith.select %lt3A_274, %add3A_277, %and3A_271 : vector<16xi1>, vector<16xi32>
      %broadcast_in_dim3A_279 = vector.shape_cast %select_n3A_278 : vector<16xi32> to vector<16x1xi32>
      %gather3A_280 = vector.shape_cast %broadcast_in_dim3A_279 : vector<16x1xi32> to vector<16xi32>
      %gather3A_281 = tpu.dynamic_gather %scan3A_117#2[%gather3A_280] in [0] : vector<16xf32>, vector<16xi32> -> vector<16xf32>
      %min3A_282 = arith.minimumf %scan3A_117#2, %gather3A_281 : vector<16xf32>
      %add3A_283 = arith.constant 4 : i32
      %add3A_284 = vector.broadcast %add3A_283 : i32 to vector<16xi32>
      %add3A_285 = arith.addi %iota3A, %add3A_284 : vector<16xi32>
      %and3A_286 = arith.constant 15 : i32
      %and3A_287 = vector.broadcast %and3A_286 : i32 to vector<16xi32>
      %and3A_288 = arith.andi %add3A_285, %and3A_287 : vector<16xi32>
      %lt3A_289 = arith.constant 0 : i32
      %lt3A_290 = vector.broadcast %lt3A_289 : i32 to vector<16xi32>
      %lt3A_291 = arith.cmpi slt, %and3A_288, %lt3A_290 : vector<16xi32>
      %add3A_292 = arith.constant 16 : i32
      %add3A_293 = vector.broadcast %add3A_292 : i32 to vector<16xi32>
      %add3A_294 = arith.addi %and3A_288, %add3A_293 : vector<16xi32>
      %select_n3A_295 = arith.select %lt3A_291, %add3A_294, %and3A_288 : vector<16xi1>, vector<16xi32>
      %broadcast_in_dim3A_296 = vector.shape_cast %select_n3A_295 : vector<16xi32> to vector<16x1xi32>
      %gather3A_297 = vector.shape_cast %broadcast_in_dim3A_296 : vector<16x1xi32> to vector<16xi32>
      %gather3A_298 = tpu.dynamic_gather %min3A_282[%gather3A_297] in [0] : vector<16xf32>, vector<16xi32> -> vector<16xf32>
      %min3A_299 = arith.minimumf %min3A_282, %gather3A_298 : vector<16xf32>
      %add3A_300 = arith.constant 2 : i32
      %add3A_301 = vector.broadcast %add3A_300 : i32 to vector<16xi32>
      %add3A_302 = arith.addi %iota3A, %add3A_301 : vector<16xi32>
      %and3A_303 = arith.constant 15 : i32
      %and3A_304 = vector.broadcast %and3A_303 : i32 to vector<16xi32>
      %and3A_305 = arith.andi %add3A_302, %and3A_304 : vector<16xi32>
      %lt3A_306 = arith.constant 0 : i32
      %lt3A_307 = vector.broadcast %lt3A_306 : i32 to vector<16xi32>
      %lt3A_308 = arith.cmpi slt, %and3A_305, %lt3A_307 : vector<16xi32>
      %add3A_309 = arith.constant 16 : i32
      %add3A_310 = vector.broadcast %add3A_309 : i32 to vector<16xi32>
      %add3A_311 = arith.addi %and3A_305, %add3A_310 : vector<16xi32>
      %select_n3A_312 = arith.select %lt3A_308, %add3A_311, %and3A_305 : vector<16xi1>, vector<16xi32>
      %broadcast_in_dim3A_313 = vector.shape_cast %select_n3A_312 : vector<16xi32> to vector<16x1xi32>
      %gather3A_314 = vector.shape_cast %broadcast_in_dim3A_313 : vector<16x1xi32> to vector<16xi32>
      %gather3A_315 = tpu.dynamic_gather %min3A_299[%gather3A_314] in [0] : vector<16xf32>, vector<16xi32> -> vector<16xf32>
      %min3A_316 = arith.minimumf %min3A_299, %gather3A_315 : vector<16xf32>
      %add3A_317 = arith.constant 1 : i32
      %add3A_318 = vector.broadcast %add3A_317 : i32 to vector<16xi32>
      %add3A_319 = arith.addi %iota3A, %add3A_318 : vector<16xi32>
      %and3A_320 = arith.constant 15 : i32
      %and3A_321 = vector.broadcast %and3A_320 : i32 to vector<16xi32>
      %and3A_322 = arith.andi %add3A_319, %and3A_321 : vector<16xi32>
      %lt3A_323 = arith.constant 0 : i32
      %lt3A_324 = vector.broadcast %lt3A_323 : i32 to vector<16xi32>
      %lt3A_325 = arith.cmpi slt, %and3A_322, %lt3A_324 : vector<16xi32>
      %add3A_326 = arith.constant 16 : i32
      %add3A_327 = vector.broadcast %add3A_326 : i32 to vector<16xi32>
      %add3A_328 = arith.addi %and3A_322, %add3A_327 : vector<16xi32>
      %select_n3A_329 = arith.select %lt3A_325, %add3A_328, %and3A_322 : vector<16xi1>, vector<16xi32>
      %broadcast_in_dim3A_330 = vector.shape_cast %select_n3A_329 : vector<16xi32> to vector<16x1xi32>
      %gather3A_331 = vector.shape_cast %broadcast_in_dim3A_330 : vector<16x1xi32> to vector<16xi32>
      %gather3A_332 = tpu.dynamic_gather %min3A_316[%gather3A_331] in [0] : vector<16xf32>, vector<16xi32> -> vector<16xf32>
      %min3A_333 = arith.minimumf %min3A_316, %gather3A_332 : vector<16xf32>
      %select_n3A_334 = arith.select %eq3A_265, %min3A_333, %select_n3A_262 : vector<16xi1>, vector<16xf32>
      %eq3A_335 = arith.constant 3 : i32
      %eq3A_336 = vector.broadcast %eq3A_335 : i32 to vector<16xi32>
      %eq3A_337 = arith.cmpi eq, %iota3A, %eq3A_336 : vector<16xi32>
      %add3A_338 = arith.constant 8 : i32
      %add3A_339 = vector.broadcast %add3A_338 : i32 to vector<16xi32>
      %add3A_340 = arith.addi %iota3A, %add3A_339 : vector<16xi32>
      %and3A_341 = arith.constant 15 : i32
      %and3A_342 = vector.broadcast %and3A_341 : i32 to vector<16xi32>
      %and3A_343 = arith.andi %add3A_340, %and3A_342 : vector<16xi32>
      %lt3A_344 = arith.constant 0 : i32
      %lt3A_345 = vector.broadcast %lt3A_344 : i32 to vector<16xi32>
      %lt3A_346 = arith.cmpi slt, %and3A_343, %lt3A_345 : vector<16xi32>
      %add3A_347 = arith.constant 16 : i32
      %add3A_348 = vector.broadcast %add3A_347 : i32 to vector<16xi32>
      %add3A_349 = arith.addi %and3A_343, %add3A_348 : vector<16xi32>
      %select_n3A_350 = arith.select %lt3A_346, %add3A_349, %and3A_343 : vector<16xi1>, vector<16xi32>
      %broadcast_in_dim3A_351 = vector.shape_cast %select_n3A_350 : vector<16xi32> to vector<16x1xi32>
      %gather3A_352 = vector.shape_cast %broadcast_in_dim3A_351 : vector<16x1xi32> to vector<16xi32>
      %gather3A_353 = tpu.dynamic_gather %scan3A_117#3[%gather3A_352] in [0] : vector<16xf32>, vector<16xi32> -> vector<16xf32>
      %min3A_354 = arith.minimumf %scan3A_117#3, %gather3A_353 : vector<16xf32>
      %add3A_355 = arith.constant 4 : i32
      %add3A_356 = vector.broadcast %add3A_355 : i32 to vector<16xi32>
      %add3A_357 = arith.addi %iota3A, %add3A_356 : vector<16xi32>
      %and3A_358 = arith.constant 15 : i32
      %and3A_359 = vector.broadcast %and3A_358 : i32 to vector<16xi32>
      %and3A_360 = arith.andi %add3A_357, %and3A_359 : vector<16xi32>
      %lt3A_361 = arith.constant 0 : i32
      %lt3A_362 = vector.broadcast %lt3A_361 : i32 to vector<16xi32>
      %lt3A_363 = arith.cmpi slt, %and3A_360, %lt3A_362 : vector<16xi32>
      %add3A_364 = arith.constant 16 : i32
      %add3A_365 = vector.broadcast %add3A_364 : i32 to vector<16xi32>
      %add3A_366 = arith.addi %and3A_360, %add3A_365 : vector<16xi32>
      %select_n3A_367 = arith.select %lt3A_363, %add3A_366, %and3A_360 : vector<16xi1>, vector<16xi32>
      %broadcast_in_dim3A_368 = vector.shape_cast %select_n3A_367 : vector<16xi32> to vector<16x1xi32>
      %gather3A_369 = vector.shape_cast %broadcast_in_dim3A_368 : vector<16x1xi32> to vector<16xi32>
      %gather3A_370 = tpu.dynamic_gather %min3A_354[%gather3A_369] in [0] : vector<16xf32>, vector<16xi32> -> vector<16xf32>
      %min3A_371 = arith.minimumf %min3A_354, %gather3A_370 : vector<16xf32>
      %add3A_372 = arith.constant 2 : i32
      %add3A_373 = vector.broadcast %add3A_372 : i32 to vector<16xi32>
      %add3A_374 = arith.addi %iota3A, %add3A_373 : vector<16xi32>
      %and3A_375 = arith.constant 15 : i32
      %and3A_376 = vector.broadcast %and3A_375 : i32 to vector<16xi32>
      %and3A_377 = arith.andi %add3A_374, %and3A_376 : vector<16xi32>
      %lt3A_378 = arith.constant 0 : i32
      %lt3A_379 = vector.broadcast %lt3A_378 : i32 to vector<16xi32>
      %lt3A_380 = arith.cmpi slt, %and3A_377, %lt3A_379 : vector<16xi32>
      %add3A_381 = arith.constant 16 : i32
      %add3A_382 = vector.broadcast %add3A_381 : i32 to vector<16xi32>
      %add3A_383 = arith.addi %and3A_377, %add3A_382 : vector<16xi32>
      %select_n3A_384 = arith.select %lt3A_380, %add3A_383, %and3A_377 : vector<16xi1>, vector<16xi32>
      %broadcast_in_dim3A_385 = vector.shape_cast %select_n3A_384 : vector<16xi32> to vector<16x1xi32>
      %gather3A_386 = vector.shape_cast %broadcast_in_dim3A_385 : vector<16x1xi32> to vector<16xi32>
      %gather3A_387 = tpu.dynamic_gather %min3A_371[%gather3A_386] in [0] : vector<16xf32>, vector<16xi32> -> vector<16xf32>
      %min3A_388 = arith.minimumf %min3A_371, %gather3A_387 : vector<16xf32>
      %add3A_389 = arith.constant 1 : i32
      %add3A_390 = vector.broadcast %add3A_389 : i32 to vector<16xi32>
      %add3A_391 = arith.addi %iota3A, %add3A_390 : vector<16xi32>
      %and3A_392 = arith.constant 15 : i32
      %and3A_393 = vector.broadcast %and3A_392 : i32 to vector<16xi32>
      %and3A_394 = arith.andi %add3A_391, %and3A_393 : vector<16xi32>
      %lt3A_395 = arith.constant 0 : i32
      %lt3A_396 = vector.broadcast %lt3A_395 : i32 to vector<16xi32>
      %lt3A_397 = arith.cmpi slt, %and3A_394, %lt3A_396 : vector<16xi32>
      %add3A_398 = arith.constant 16 : i32
      %add3A_399 = vector.broadcast %add3A_398 : i32 to vector<16xi32>
      %add3A_400 = arith.addi %and3A_394, %add3A_399 : vector<16xi32>
      %select_n3A_401 = arith.select %lt3A_397, %add3A_400, %and3A_394 : vector<16xi1>, vector<16xi32>
      %broadcast_in_dim3A_402 = vector.shape_cast %select_n3A_401 : vector<16xi32> to vector<16x1xi32>
      %gather3A_403 = vector.shape_cast %broadcast_in_dim3A_402 : vector<16x1xi32> to vector<16xi32>
      %gather3A_404 = tpu.dynamic_gather %min3A_388[%gather3A_403] in [0] : vector<16xf32>, vector<16xi32> -> vector<16xf32>
      %min3A_405 = arith.minimumf %min3A_388, %gather3A_404 : vector<16xf32>
      %select_n3A_406 = arith.select %eq3A_337, %min3A_405, %select_n3A_334 : vector<16xi1>, vector<16xf32>
      %eq3A_407 = arith.constant 4 : i32
      %eq3A_408 = vector.broadcast %eq3A_407 : i32 to vector<16xi32>
      %eq3A_409 = arith.cmpi eq, %iota3A, %eq3A_408 : vector<16xi32>
      %add3A_410 = arith.constant 8 : i32
      %add3A_411 = vector.broadcast %add3A_410 : i32 to vector<16xi32>
      %add3A_412 = arith.addi %iota3A, %add3A_411 : vector<16xi32>
      %and3A_413 = arith.constant 15 : i32
      %and3A_414 = vector.broadcast %and3A_413 : i32 to vector<16xi32>
      %and3A_415 = arith.andi %add3A_412, %and3A_414 : vector<16xi32>
      %lt3A_416 = arith.constant 0 : i32
      %lt3A_417 = vector.broadcast %lt3A_416 : i32 to vector<16xi32>
      %lt3A_418 = arith.cmpi slt, %and3A_415, %lt3A_417 : vector<16xi32>
      %add3A_419 = arith.constant 16 : i32
      %add3A_420 = vector.broadcast %add3A_419 : i32 to vector<16xi32>
      %add3A_421 = arith.addi %and3A_415, %add3A_420 : vector<16xi32>
      %select_n3A_422 = arith.select %lt3A_418, %add3A_421, %and3A_415 : vector<16xi1>, vector<16xi32>
      %broadcast_in_dim3A_423 = vector.shape_cast %select_n3A_422 : vector<16xi32> to vector<16x1xi32>
      %gather3A_424 = vector.shape_cast %broadcast_in_dim3A_423 : vector<16x1xi32> to vector<16xi32>
      %gather3A_425 = tpu.dynamic_gather %scan3A_117#4[%gather3A_424] in [0] : vector<16xf32>, vector<16xi32> -> vector<16xf32>
      %min3A_426 = arith.minimumf %scan3A_117#4, %gather3A_425 : vector<16xf32>
      %add3A_427 = arith.constant 4 : i32
      %add3A_428 = vector.broadcast %add3A_427 : i32 to vector<16xi32>
      %add3A_429 = arith.addi %iota3A, %add3A_428 : vector<16xi32>
      %and3A_430 = arith.constant 15 : i32
      %and3A_431 = vector.broadcast %and3A_430 : i32 to vector<16xi32>
      %and3A_432 = arith.andi %add3A_429, %and3A_431 : vector<16xi32>
      %lt3A_433 = arith.constant 0 : i32
      %lt3A_434 = vector.broadcast %lt3A_433 : i32 to vector<16xi32>
      %lt3A_435 = arith.cmpi slt, %and3A_432, %lt3A_434 : vector<16xi32>
      %add3A_436 = arith.constant 16 : i32
      %add3A_437 = vector.broadcast %add3A_436 : i32 to vector<16xi32>
      %add3A_438 = arith.addi %and3A_432, %add3A_437 : vector<16xi32>
      %select_n3A_439 = arith.select %lt3A_435, %add3A_438, %and3A_432 : vector<16xi1>, vector<16xi32>
      %broadcast_in_dim3A_440 = vector.shape_cast %select_n3A_439 : vector<16xi32> to vector<16x1xi32>
      %gather3A_441 = vector.shape_cast %broadcast_in_dim3A_440 : vector<16x1xi32> to vector<16xi32>
      %gather3A_442 = tpu.dynamic_gather %min3A_426[%gather3A_441] in [0] : vector<16xf32>, vector<16xi32> -> vector<16xf32>
      %min3A_443 = arith.minimumf %min3A_426, %gather3A_442 : vector<16xf32>
      %add3A_444 = arith.constant 2 : i32
      %add3A_445 = vector.broadcast %add3A_444 : i32 to vector<16xi32>
      %add3A_446 = arith.addi %iota3A, %add3A_445 : vector<16xi32>
      %and3A_447 = arith.constant 15 : i32
      %and3A_448 = vector.broadcast %and3A_447 : i32 to vector<16xi32>
      %and3A_449 = arith.andi %add3A_446, %and3A_448 : vector<16xi32>
      %lt3A_450 = arith.constant 0 : i32
      %lt3A_451 = vector.broadcast %lt3A_450 : i32 to vector<16xi32>
      %lt3A_452 = arith.cmpi slt, %and3A_449, %lt3A_451 : vector<16xi32>
      %add3A_453 = arith.constant 16 : i32
      %add3A_454 = vector.broadcast %add3A_453 : i32 to vector<16xi32>
      %add3A_455 = arith.addi %and3A_449, %add3A_454 : vector<16xi32>
      %select_n3A_456 = arith.select %lt3A_452, %add3A_455, %and3A_449 : vector<16xi1>, vector<16xi32>
      %broadcast_in_dim3A_457 = vector.shape_cast %select_n3A_456 : vector<16xi32> to vector<16x1xi32>
      %gather3A_458 = vector.shape_cast %broadcast_in_dim3A_457 : vector<16x1xi32> to vector<16xi32>
      %gather3A_459 = tpu.dynamic_gather %min3A_443[%gather3A_458] in [0] : vector<16xf32>, vector<16xi32> -> vector<16xf32>
      %min3A_460 = arith.minimumf %min3A_443, %gather3A_459 : vector<16xf32>
      %add3A_461 = arith.constant 1 : i32
      %add3A_462 = vector.broadcast %add3A_461 : i32 to vector<16xi32>
      %add3A_463 = arith.addi %iota3A, %add3A_462 : vector<16xi32>
      %and3A_464 = arith.constant 15 : i32
      %and3A_465 = vector.broadcast %and3A_464 : i32 to vector<16xi32>
      %and3A_466 = arith.andi %add3A_463, %and3A_465 : vector<16xi32>
      %lt3A_467 = arith.constant 0 : i32
      %lt3A_468 = vector.broadcast %lt3A_467 : i32 to vector<16xi32>
      %lt3A_469 = arith.cmpi slt, %and3A_466, %lt3A_468 : vector<16xi32>
      %add3A_470 = arith.constant 16 : i32
      %add3A_471 = vector.broadcast %add3A_470 : i32 to vector<16xi32>
      %add3A_472 = arith.addi %and3A_466, %add3A_471 : vector<16xi32>
      %select_n3A_473 = arith.select %lt3A_469, %add3A_472, %and3A_466 : vector<16xi1>, vector<16xi32>
      %broadcast_in_dim3A_474 = vector.shape_cast %select_n3A_473 : vector<16xi32> to vector<16x1xi32>
      %gather3A_475 = vector.shape_cast %broadcast_in_dim3A_474 : vector<16x1xi32> to vector<16xi32>
      %gather3A_476 = tpu.dynamic_gather %min3A_460[%gather3A_475] in [0] : vector<16xf32>, vector<16xi32> -> vector<16xf32>
      %min3A_477 = arith.minimumf %min3A_460, %gather3A_476 : vector<16xf32>
      %select_n3A_478 = arith.select %eq3A_409, %min3A_477, %select_n3A_406 : vector<16xi1>, vector<16xf32>
      %eq3A_479 = arith.constant 5 : i32
      %eq3A_480 = vector.broadcast %eq3A_479 : i32 to vector<16xi32>
      %eq3A_481 = arith.cmpi eq, %iota3A, %eq3A_480 : vector<16xi32>
      %add3A_482 = arith.constant 8 : i32
      %add3A_483 = vector.broadcast %add3A_482 : i32 to vector<16xi32>
      %add3A_484 = arith.addi %iota3A, %add3A_483 : vector<16xi32>
      %and3A_485 = arith.constant 15 : i32
      %and3A_486 = vector.broadcast %and3A_485 : i32 to vector<16xi32>
      %and3A_487 = arith.andi %add3A_484, %and3A_486 : vector<16xi32>
      %lt3A_488 = arith.constant 0 : i32
      %lt3A_489 = vector.broadcast %lt3A_488 : i32 to vector<16xi32>
      %lt3A_490 = arith.cmpi slt, %and3A_487, %lt3A_489 : vector<16xi32>
      %add3A_491 = arith.constant 16 : i32
      %add3A_492 = vector.broadcast %add3A_491 : i32 to vector<16xi32>
      %add3A_493 = arith.addi %and3A_487, %add3A_492 : vector<16xi32>
      %select_n3A_494 = arith.select %lt3A_490, %add3A_493, %and3A_487 : vector<16xi1>, vector<16xi32>
      %broadcast_in_dim3A_495 = vector.shape_cast %select_n3A_494 : vector<16xi32> to vector<16x1xi32>
      %gather3A_496 = vector.shape_cast %broadcast_in_dim3A_495 : vector<16x1xi32> to vector<16xi32>
      %gather3A_497 = tpu.dynamic_gather %scan3A_117#5[%gather3A_496] in [0] : vector<16xf32>, vector<16xi32> -> vector<16xf32>
      %min3A_498 = arith.minimumf %scan3A_117#5, %gather3A_497 : vector<16xf32>
      %add3A_499 = arith.constant 4 : i32
      %add3A_500 = vector.broadcast %add3A_499 : i32 to vector<16xi32>
      %add3A_501 = arith.addi %iota3A, %add3A_500 : vector<16xi32>
      %and3A_502 = arith.constant 15 : i32
      %and3A_503 = vector.broadcast %and3A_502 : i32 to vector<16xi32>
      %and3A_504 = arith.andi %add3A_501, %and3A_503 : vector<16xi32>
      %lt3A_505 = arith.constant 0 : i32
      %lt3A_506 = vector.broadcast %lt3A_505 : i32 to vector<16xi32>
      %lt3A_507 = arith.cmpi slt, %and3A_504, %lt3A_506 : vector<16xi32>
      %add3A_508 = arith.constant 16 : i32
      %add3A_509 = vector.broadcast %add3A_508 : i32 to vector<16xi32>
      %add3A_510 = arith.addi %and3A_504, %add3A_509 : vector<16xi32>
      %select_n3A_511 = arith.select %lt3A_507, %add3A_510, %and3A_504 : vector<16xi1>, vector<16xi32>
      %broadcast_in_dim3A_512 = vector.shape_cast %select_n3A_511 : vector<16xi32> to vector<16x1xi32>
      %gather3A_513 = vector.shape_cast %broadcast_in_dim3A_512 : vector<16x1xi32> to vector<16xi32>
      %gather3A_514 = tpu.dynamic_gather %min3A_498[%gather3A_513] in [0] : vector<16xf32>, vector<16xi32> -> vector<16xf32>
      %min3A_515 = arith.minimumf %min3A_498, %gather3A_514 : vector<16xf32>
      %add3A_516 = arith.constant 2 : i32
      %add3A_517 = vector.broadcast %add3A_516 : i32 to vector<16xi32>
      %add3A_518 = arith.addi %iota3A, %add3A_517 : vector<16xi32>
      %and3A_519 = arith.constant 15 : i32
      %and3A_520 = vector.broadcast %and3A_519 : i32 to vector<16xi32>
      %and3A_521 = arith.andi %add3A_518, %and3A_520 : vector<16xi32>
      %lt3A_522 = arith.constant 0 : i32
      %lt3A_523 = vector.broadcast %lt3A_522 : i32 to vector<16xi32>
      %lt3A_524 = arith.cmpi slt, %and3A_521, %lt3A_523 : vector<16xi32>
      %add3A_525 = arith.constant 16 : i32
      %add3A_526 = vector.broadcast %add3A_525 : i32 to vector<16xi32>
      %add3A_527 = arith.addi %and3A_521, %add3A_526 : vector<16xi32>
      %select_n3A_528 = arith.select %lt3A_524, %add3A_527, %and3A_521 : vector<16xi1>, vector<16xi32>
      %broadcast_in_dim3A_529 = vector.shape_cast %select_n3A_528 : vector<16xi32> to vector<16x1xi32>
      %gather3A_530 = vector.shape_cast %broadcast_in_dim3A_529 : vector<16x1xi32> to vector<16xi32>
      %gather3A_531 = tpu.dynamic_gather %min3A_515[%gather3A_530] in [0] : vector<16xf32>, vector<16xi32> -> vector<16xf32>
      %min3A_532 = arith.minimumf %min3A_515, %gather3A_531 : vector<16xf32>
      %add3A_533 = arith.constant 1 : i32
      %add3A_534 = vector.broadcast %add3A_533 : i32 to vector<16xi32>
      %add3A_535 = arith.addi %iota3A, %add3A_534 : vector<16xi32>
      %and3A_536 = arith.constant 15 : i32
      %and3A_537 = vector.broadcast %and3A_536 : i32 to vector<16xi32>
      %and3A_538 = arith.andi %add3A_535, %and3A_537 : vector<16xi32>
      %lt3A_539 = arith.constant 0 : i32
      %lt3A_540 = vector.broadcast %lt3A_539 : i32 to vector<16xi32>
      %lt3A_541 = arith.cmpi slt, %and3A_538, %lt3A_540 : vector<16xi32>
      %add3A_542 = arith.constant 16 : i32
      %add3A_543 = vector.broadcast %add3A_542 : i32 to vector<16xi32>
      %add3A_544 = arith.addi %and3A_538, %add3A_543 : vector<16xi32>
      %select_n3A_545 = arith.select %lt3A_541, %add3A_544, %and3A_538 : vector<16xi1>, vector<16xi32>
      %broadcast_in_dim3A_546 = vector.shape_cast %select_n3A_545 : vector<16xi32> to vector<16x1xi32>
      %gather3A_547 = vector.shape_cast %broadcast_in_dim3A_546 : vector<16x1xi32> to vector<16xi32>
      %gather3A_548 = tpu.dynamic_gather %min3A_532[%gather3A_547] in [0] : vector<16xf32>, vector<16xi32> -> vector<16xf32>
      %min3A_549 = arith.minimumf %min3A_532, %gather3A_548 : vector<16xf32>
      %select_n3A_550 = arith.select %eq3A_481, %min3A_549, %select_n3A_478 : vector<16xi1>, vector<16xf32>
      %eq3A_551 = arith.constant 6 : i32
      %eq3A_552 = vector.broadcast %eq3A_551 : i32 to vector<16xi32>
      %eq3A_553 = arith.cmpi eq, %iota3A, %eq3A_552 : vector<16xi32>
      %add3A_554 = arith.constant 8 : i32
      %add3A_555 = vector.broadcast %add3A_554 : i32 to vector<16xi32>
      %add3A_556 = arith.addi %iota3A, %add3A_555 : vector<16xi32>
      %and3A_557 = arith.constant 15 : i32
      %and3A_558 = vector.broadcast %and3A_557 : i32 to vector<16xi32>
      %and3A_559 = arith.andi %add3A_556, %and3A_558 : vector<16xi32>
      %lt3A_560 = arith.constant 0 : i32
      %lt3A_561 = vector.broadcast %lt3A_560 : i32 to vector<16xi32>
      %lt3A_562 = arith.cmpi slt, %and3A_559, %lt3A_561 : vector<16xi32>
      %add3A_563 = arith.constant 16 : i32
      %add3A_564 = vector.broadcast %add3A_563 : i32 to vector<16xi32>
      %add3A_565 = arith.addi %and3A_559, %add3A_564 : vector<16xi32>
      %select_n3A_566 = arith.select %lt3A_562, %add3A_565, %and3A_559 : vector<16xi1>, vector<16xi32>
      %broadcast_in_dim3A_567 = vector.shape_cast %select_n3A_566 : vector<16xi32> to vector<16x1xi32>
      %gather3A_568 = vector.shape_cast %broadcast_in_dim3A_567 : vector<16x1xi32> to vector<16xi32>
      %gather3A_569 = tpu.dynamic_gather %scan3A_117#6[%gather3A_568] in [0] : vector<16xf32>, vector<16xi32> -> vector<16xf32>
      %min3A_570 = arith.minimumf %scan3A_117#6, %gather3A_569 : vector<16xf32>
      %add3A_571 = arith.constant 4 : i32
      %add3A_572 = vector.broadcast %add3A_571 : i32 to vector<16xi32>
      %add3A_573 = arith.addi %iota3A, %add3A_572 : vector<16xi32>
      %and3A_574 = arith.constant 15 : i32
      %and3A_575 = vector.broadcast %and3A_574 : i32 to vector<16xi32>
      %and3A_576 = arith.andi %add3A_573, %and3A_575 : vector<16xi32>
      %lt3A_577 = arith.constant 0 : i32
      %lt3A_578 = vector.broadcast %lt3A_577 : i32 to vector<16xi32>
      %lt3A_579 = arith.cmpi slt, %and3A_576, %lt3A_578 : vector<16xi32>
      %add3A_580 = arith.constant 16 : i32
      %add3A_581 = vector.broadcast %add3A_580 : i32 to vector<16xi32>
      %add3A_582 = arith.addi %and3A_576, %add3A_581 : vector<16xi32>
      %select_n3A_583 = arith.select %lt3A_579, %add3A_582, %and3A_576 : vector<16xi1>, vector<16xi32>
      %broadcast_in_dim3A_584 = vector.shape_cast %select_n3A_583 : vector<16xi32> to vector<16x1xi32>
      %gather3A_585 = vector.shape_cast %broadcast_in_dim3A_584 : vector<16x1xi32> to vector<16xi32>
      %gather3A_586 = tpu.dynamic_gather %min3A_570[%gather3A_585] in [0] : vector<16xf32>, vector<16xi32> -> vector<16xf32>
      %min3A_587 = arith.minimumf %min3A_570, %gather3A_586 : vector<16xf32>
      %add3A_588 = arith.constant 2 : i32
      %add3A_589 = vector.broadcast %add3A_588 : i32 to vector<16xi32>
      %add3A_590 = arith.addi %iota3A, %add3A_589 : vector<16xi32>
      %and3A_591 = arith.constant 15 : i32
      %and3A_592 = vector.broadcast %and3A_591 : i32 to vector<16xi32>
      %and3A_593 = arith.andi %add3A_590, %and3A_592 : vector<16xi32>
      %lt3A_594 = arith.constant 0 : i32
      %lt3A_595 = vector.broadcast %lt3A_594 : i32 to vector<16xi32>
      %lt3A_596 = arith.cmpi slt, %and3A_593, %lt3A_595 : vector<16xi32>
      %add3A_597 = arith.constant 16 : i32
      %add3A_598 = vector.broadcast %add3A_597 : i32 to vector<16xi32>
      %add3A_599 = arith.addi %and3A_593, %add3A_598 : vector<16xi32>
      %select_n3A_600 = arith.select %lt3A_596, %add3A_599, %and3A_593 : vector<16xi1>, vector<16xi32>
      %broadcast_in_dim3A_601 = vector.shape_cast %select_n3A_600 : vector<16xi32> to vector<16x1xi32>
      %gather3A_602 = vector.shape_cast %broadcast_in_dim3A_601 : vector<16x1xi32> to vector<16xi32>
      %gather3A_603 = tpu.dynamic_gather %min3A_587[%gather3A_602] in [0] : vector<16xf32>, vector<16xi32> -> vector<16xf32>
      %min3A_604 = arith.minimumf %min3A_587, %gather3A_603 : vector<16xf32>
      %add3A_605 = arith.constant 1 : i32
      %add3A_606 = vector.broadcast %add3A_605 : i32 to vector<16xi32>
      %add3A_607 = arith.addi %iota3A, %add3A_606 : vector<16xi32>
      %and3A_608 = arith.constant 15 : i32
      %and3A_609 = vector.broadcast %and3A_608 : i32 to vector<16xi32>
      %and3A_610 = arith.andi %add3A_607, %and3A_609 : vector<16xi32>
      %lt3A_611 = arith.constant 0 : i32
      %lt3A_612 = vector.broadcast %lt3A_611 : i32 to vector<16xi32>
      %lt3A_613 = arith.cmpi slt, %and3A_610, %lt3A_612 : vector<16xi32>
      %add3A_614 = arith.constant 16 : i32
      %add3A_615 = vector.broadcast %add3A_614 : i32 to vector<16xi32>
      %add3A_616 = arith.addi %and3A_610, %add3A_615 : vector<16xi32>
      %select_n3A_617 = arith.select %lt3A_613, %add3A_616, %and3A_610 : vector<16xi1>, vector<16xi32>
      %broadcast_in_dim3A_618 = vector.shape_cast %select_n3A_617 : vector<16xi32> to vector<16x1xi32>
      %gather3A_619 = vector.shape_cast %broadcast_in_dim3A_618 : vector<16x1xi32> to vector<16xi32>
      %gather3A_620 = tpu.dynamic_gather %min3A_604[%gather3A_619] in [0] : vector<16xf32>, vector<16xi32> -> vector<16xf32>
      %min3A_621 = arith.minimumf %min3A_604, %gather3A_620 : vector<16xf32>
      %select_n3A_622 = arith.select %eq3A_553, %min3A_621, %select_n3A_550 : vector<16xi1>, vector<16xf32>
      %eq3A_623 = arith.constant 7 : i32
      %eq3A_624 = vector.broadcast %eq3A_623 : i32 to vector<16xi32>
      %eq3A_625 = arith.cmpi eq, %iota3A, %eq3A_624 : vector<16xi32>
      %add3A_626 = arith.constant 8 : i32
      %add3A_627 = vector.broadcast %add3A_626 : i32 to vector<16xi32>
      %add3A_628 = arith.addi %iota3A, %add3A_627 : vector<16xi32>
      %and3A_629 = arith.constant 15 : i32
      %and3A_630 = vector.broadcast %and3A_629 : i32 to vector<16xi32>
      %and3A_631 = arith.andi %add3A_628, %and3A_630 : vector<16xi32>
      %lt3A_632 = arith.constant 0 : i32
      %lt3A_633 = vector.broadcast %lt3A_632 : i32 to vector<16xi32>
      %lt3A_634 = arith.cmpi slt, %and3A_631, %lt3A_633 : vector<16xi32>
      %add3A_635 = arith.constant 16 : i32
      %add3A_636 = vector.broadcast %add3A_635 : i32 to vector<16xi32>
      %add3A_637 = arith.addi %and3A_631, %add3A_636 : vector<16xi32>
      %select_n3A_638 = arith.select %lt3A_634, %add3A_637, %and3A_631 : vector<16xi1>, vector<16xi32>
      %broadcast_in_dim3A_639 = vector.shape_cast %select_n3A_638 : vector<16xi32> to vector<16x1xi32>
      %gather3A_640 = vector.shape_cast %broadcast_in_dim3A_639 : vector<16x1xi32> to vector<16xi32>
      %gather3A_641 = tpu.dynamic_gather %scan3A_117#7[%gather3A_640] in [0] : vector<16xf32>, vector<16xi32> -> vector<16xf32>
      %min3A_642 = arith.minimumf %scan3A_117#7, %gather3A_641 : vector<16xf32>
      %add3A_643 = arith.constant 4 : i32
      %add3A_644 = vector.broadcast %add3A_643 : i32 to vector<16xi32>
      %add3A_645 = arith.addi %iota3A, %add3A_644 : vector<16xi32>
      %and3A_646 = arith.constant 15 : i32
      %and3A_647 = vector.broadcast %and3A_646 : i32 to vector<16xi32>
      %and3A_648 = arith.andi %add3A_645, %and3A_647 : vector<16xi32>
      %lt3A_649 = arith.constant 0 : i32
      %lt3A_650 = vector.broadcast %lt3A_649 : i32 to vector<16xi32>
      %lt3A_651 = arith.cmpi slt, %and3A_648, %lt3A_650 : vector<16xi32>
      %add3A_652 = arith.constant 16 : i32
      %add3A_653 = vector.broadcast %add3A_652 : i32 to vector<16xi32>
      %add3A_654 = arith.addi %and3A_648, %add3A_653 : vector<16xi32>
      %select_n3A_655 = arith.select %lt3A_651, %add3A_654, %and3A_648 : vector<16xi1>, vector<16xi32>
      %broadcast_in_dim3A_656 = vector.shape_cast %select_n3A_655 : vector<16xi32> to vector<16x1xi32>
      %gather3A_657 = vector.shape_cast %broadcast_in_dim3A_656 : vector<16x1xi32> to vector<16xi32>
      %gather3A_658 = tpu.dynamic_gather %min3A_642[%gather3A_657] in [0] : vector<16xf32>, vector<16xi32> -> vector<16xf32>
      %min3A_659 = arith.minimumf %min3A_642, %gather3A_658 : vector<16xf32>
      %add3A_660 = arith.constant 2 : i32
      %add3A_661 = vector.broadcast %add3A_660 : i32 to vector<16xi32>
      %add3A_662 = arith.addi %iota3A, %add3A_661 : vector<16xi32>
      %and3A_663 = arith.constant 15 : i32
      %and3A_664 = vector.broadcast %and3A_663 : i32 to vector<16xi32>
      %and3A_665 = arith.andi %add3A_662, %and3A_664 : vector<16xi32>
      %lt3A_666 = arith.constant 0 : i32
      %lt3A_667 = vector.broadcast %lt3A_666 : i32 to vector<16xi32>
      %lt3A_668 = arith.cmpi slt, %and3A_665, %lt3A_667 : vector<16xi32>
      %add3A_669 = arith.constant 16 : i32
      %add3A_670 = vector.broadcast %add3A_669 : i32 to vector<16xi32>
      %add3A_671 = arith.addi %and3A_665, %add3A_670 : vector<16xi32>
      %select_n3A_672 = arith.select %lt3A_668, %add3A_671, %and3A_665 : vector<16xi1>, vector<16xi32>
      %broadcast_in_dim3A_673 = vector.shape_cast %select_n3A_672 : vector<16xi32> to vector<16x1xi32>
      %gather3A_674 = vector.shape_cast %broadcast_in_dim3A_673 : vector<16x1xi32> to vector<16xi32>
      %gather3A_675 = tpu.dynamic_gather %min3A_659[%gather3A_674] in [0] : vector<16xf32>, vector<16xi32> -> vector<16xf32>
      %min3A_676 = arith.minimumf %min3A_659, %gather3A_675 : vector<16xf32>
      %add3A_677 = arith.constant 1 : i32
      %add3A_678 = vector.broadcast %add3A_677 : i32 to vector<16xi32>
      %add3A_679 = arith.addi %iota3A, %add3A_678 : vector<16xi32>
      %and3A_680 = arith.constant 15 : i32
      %and3A_681 = vector.broadcast %and3A_680 : i32 to vector<16xi32>
      %and3A_682 = arith.andi %add3A_679, %and3A_681 : vector<16xi32>
      %lt3A_683 = arith.constant 0 : i32
      %lt3A_684 = vector.broadcast %lt3A_683 : i32 to vector<16xi32>
      %lt3A_685 = arith.cmpi slt, %and3A_682, %lt3A_684 : vector<16xi32>
      %add3A_686 = arith.constant 16 : i32
      %add3A_687 = vector.broadcast %add3A_686 : i32 to vector<16xi32>
      %add3A_688 = arith.addi %and3A_682, %add3A_687 : vector<16xi32>
      %select_n3A_689 = arith.select %lt3A_685, %add3A_688, %and3A_682 : vector<16xi1>, vector<16xi32>
      %broadcast_in_dim3A_690 = vector.shape_cast %select_n3A_689 : vector<16xi32> to vector<16x1xi32>
      %gather3A_691 = vector.shape_cast %broadcast_in_dim3A_690 : vector<16x1xi32> to vector<16xi32>
      %gather3A_692 = tpu.dynamic_gather %min3A_676[%gather3A_691] in [0] : vector<16xf32>, vector<16xi32> -> vector<16xf32>
      %min3A_693 = arith.minimumf %min3A_676, %gather3A_692 : vector<16xf32>
      %select_n3A_694 = arith.select %eq3A_625, %min3A_693, %select_n3A_622 : vector<16xi1>, vector<16xf32>
      %eq3A_695 = arith.constant 8 : i32
      %eq3A_696 = vector.broadcast %eq3A_695 : i32 to vector<16xi32>
      %eq3A_697 = arith.cmpi eq, %iota3A, %eq3A_696 : vector<16xi32>
      %add3A_698 = arith.constant 8 : i32
      %add3A_699 = vector.broadcast %add3A_698 : i32 to vector<16xi32>
      %add3A_700 = arith.addi %iota3A, %add3A_699 : vector<16xi32>
      %and3A_701 = arith.constant 15 : i32
      %and3A_702 = vector.broadcast %and3A_701 : i32 to vector<16xi32>
      %and3A_703 = arith.andi %add3A_700, %and3A_702 : vector<16xi32>
      %lt3A_704 = arith.constant 0 : i32
      %lt3A_705 = vector.broadcast %lt3A_704 : i32 to vector<16xi32>
      %lt3A_706 = arith.cmpi slt, %and3A_703, %lt3A_705 : vector<16xi32>
      %add3A_707 = arith.constant 16 : i32
      %add3A_708 = vector.broadcast %add3A_707 : i32 to vector<16xi32>
      %add3A_709 = arith.addi %and3A_703, %add3A_708 : vector<16xi32>
      %select_n3A_710 = arith.select %lt3A_706, %add3A_709, %and3A_703 : vector<16xi1>, vector<16xi32>
      %broadcast_in_dim3A_711 = vector.shape_cast %select_n3A_710 : vector<16xi32> to vector<16x1xi32>
      %gather3A_712 = vector.shape_cast %broadcast_in_dim3A_711 : vector<16x1xi32> to vector<16xi32>
      %gather3A_713 = tpu.dynamic_gather %scan3A_117#8[%gather3A_712] in [0] : vector<16xf32>, vector<16xi32> -> vector<16xf32>
      %min3A_714 = arith.minimumf %scan3A_117#8, %gather3A_713 : vector<16xf32>
      %add3A_715 = arith.constant 4 : i32
      %add3A_716 = vector.broadcast %add3A_715 : i32 to vector<16xi32>
      %add3A_717 = arith.addi %iota3A, %add3A_716 : vector<16xi32>
      %and3A_718 = arith.constant 15 : i32
      %and3A_719 = vector.broadcast %and3A_718 : i32 to vector<16xi32>
      %and3A_720 = arith.andi %add3A_717, %and3A_719 : vector<16xi32>
      %lt3A_721 = arith.constant 0 : i32
      %lt3A_722 = vector.broadcast %lt3A_721 : i32 to vector<16xi32>
      %lt3A_723 = arith.cmpi slt, %and3A_720, %lt3A_722 : vector<16xi32>
      %add3A_724 = arith.constant 16 : i32
      %add3A_725 = vector.broadcast %add3A_724 : i32 to vector<16xi32>
      %add3A_726 = arith.addi %and3A_720, %add3A_725 : vector<16xi32>
      %select_n3A_727 = arith.select %lt3A_723, %add3A_726, %and3A_720 : vector<16xi1>, vector<16xi32>
      %broadcast_in_dim3A_728 = vector.shape_cast %select_n3A_727 : vector<16xi32> to vector<16x1xi32>
      %gather3A_729 = vector.shape_cast %broadcast_in_dim3A_728 : vector<16x1xi32> to vector<16xi32>
      %gather3A_730 = tpu.dynamic_gather %min3A_714[%gather3A_729] in [0] : vector<16xf32>, vector<16xi32> -> vector<16xf32>
      %min3A_731 = arith.minimumf %min3A_714, %gather3A_730 : vector<16xf32>
      %add3A_732 = arith.constant 2 : i32
      %add3A_733 = vector.broadcast %add3A_732 : i32 to vector<16xi32>
      %add3A_734 = arith.addi %iota3A, %add3A_733 : vector<16xi32>
      %and3A_735 = arith.constant 15 : i32
      %and3A_736 = vector.broadcast %and3A_735 : i32 to vector<16xi32>
      %and3A_737 = arith.andi %add3A_734, %and3A_736 : vector<16xi32>
      %lt3A_738 = arith.constant 0 : i32
      %lt3A_739 = vector.broadcast %lt3A_738 : i32 to vector<16xi32>
      %lt3A_740 = arith.cmpi slt, %and3A_737, %lt3A_739 : vector<16xi32>
      %add3A_741 = arith.constant 16 : i32
      %add3A_742 = vector.broadcast %add3A_741 : i32 to vector<16xi32>
      %add3A_743 = arith.addi %and3A_737, %add3A_742 : vector<16xi32>
      %select_n3A_744 = arith.select %lt3A_740, %add3A_743, %and3A_737 : vector<16xi1>, vector<16xi32>
      %broadcast_in_dim3A_745 = vector.shape_cast %select_n3A_744 : vector<16xi32> to vector<16x1xi32>
      %gather3A_746 = vector.shape_cast %broadcast_in_dim3A_745 : vector<16x1xi32> to vector<16xi32>
      %gather3A_747 = tpu.dynamic_gather %min3A_731[%gather3A_746] in [0] : vector<16xf32>, vector<16xi32> -> vector<16xf32>
      %min3A_748 = arith.minimumf %min3A_731, %gather3A_747 : vector<16xf32>
      %add3A_749 = arith.constant 1 : i32
      %add3A_750 = vector.broadcast %add3A_749 : i32 to vector<16xi32>
      %add3A_751 = arith.addi %iota3A, %add3A_750 : vector<16xi32>
      %and3A_752 = arith.constant 15 : i32
      %and3A_753 = vector.broadcast %and3A_752 : i32 to vector<16xi32>
      %and3A_754 = arith.andi %add3A_751, %and3A_753 : vector<16xi32>
      %lt3A_755 = arith.constant 0 : i32
      %lt3A_756 = vector.broadcast %lt3A_755 : i32 to vector<16xi32>
      %lt3A_757 = arith.cmpi slt, %and3A_754, %lt3A_756 : vector<16xi32>
      %add3A_758 = arith.constant 16 : i32
      %add3A_759 = vector.broadcast %add3A_758 : i32 to vector<16xi32>
      %add3A_760 = arith.addi %and3A_754, %add3A_759 : vector<16xi32>
      %select_n3A_761 = arith.select %lt3A_757, %add3A_760, %and3A_754 : vector<16xi1>, vector<16xi32>
      %broadcast_in_dim3A_762 = vector.shape_cast %select_n3A_761 : vector<16xi32> to vector<16x1xi32>
      %gather3A_763 = vector.shape_cast %broadcast_in_dim3A_762 : vector<16x1xi32> to vector<16xi32>
      %gather3A_764 = tpu.dynamic_gather %min3A_748[%gather3A_763] in [0] : vector<16xf32>, vector<16xi32> -> vector<16xf32>
      %min3A_765 = arith.minimumf %min3A_748, %gather3A_764 : vector<16xf32>
      %select_n3A_766 = arith.select %eq3A_697, %min3A_765, %select_n3A_694 : vector<16xi1>, vector<16xf32>
      %eq3A_767 = arith.constant 9 : i32
      %eq3A_768 = vector.broadcast %eq3A_767 : i32 to vector<16xi32>
      %eq3A_769 = arith.cmpi eq, %iota3A, %eq3A_768 : vector<16xi32>
      %add3A_770 = arith.constant 8 : i32
      %add3A_771 = vector.broadcast %add3A_770 : i32 to vector<16xi32>
      %add3A_772 = arith.addi %iota3A, %add3A_771 : vector<16xi32>
      %and3A_773 = arith.constant 15 : i32
      %and3A_774 = vector.broadcast %and3A_773 : i32 to vector<16xi32>
      %and3A_775 = arith.andi %add3A_772, %and3A_774 : vector<16xi32>
      %lt3A_776 = arith.constant 0 : i32
      %lt3A_777 = vector.broadcast %lt3A_776 : i32 to vector<16xi32>
      %lt3A_778 = arith.cmpi slt, %and3A_775, %lt3A_777 : vector<16xi32>
      %add3A_779 = arith.constant 16 : i32
      %add3A_780 = vector.broadcast %add3A_779 : i32 to vector<16xi32>
      %add3A_781 = arith.addi %and3A_775, %add3A_780 : vector<16xi32>
      %select_n3A_782 = arith.select %lt3A_778, %add3A_781, %and3A_775 : vector<16xi1>, vector<16xi32>
      %broadcast_in_dim3A_783 = vector.shape_cast %select_n3A_782 : vector<16xi32> to vector<16x1xi32>
      %gather3A_784 = vector.shape_cast %broadcast_in_dim3A_783 : vector<16x1xi32> to vector<16xi32>
      %gather3A_785 = tpu.dynamic_gather %scan3A_117#9[%gather3A_784] in [0] : vector<16xf32>, vector<16xi32> -> vector<16xf32>
      %min3A_786 = arith.minimumf %scan3A_117#9, %gather3A_785 : vector<16xf32>
      %add3A_787 = arith.constant 4 : i32
      %add3A_788 = vector.broadcast %add3A_787 : i32 to vector<16xi32>
      %add3A_789 = arith.addi %iota3A, %add3A_788 : vector<16xi32>
      %and3A_790 = arith.constant 15 : i32
      %and3A_791 = vector.broadcast %and3A_790 : i32 to vector<16xi32>
      %and3A_792 = arith.andi %add3A_789, %and3A_791 : vector<16xi32>
      %lt3A_793 = arith.constant 0 : i32
      %lt3A_794 = vector.broadcast %lt3A_793 : i32 to vector<16xi32>
      %lt3A_795 = arith.cmpi slt, %and3A_792, %lt3A_794 : vector<16xi32>
      %add3A_796 = arith.constant 16 : i32
      %add3A_797 = vector.broadcast %add3A_796 : i32 to vector<16xi32>
      %add3A_798 = arith.addi %and3A_792, %add3A_797 : vector<16xi32>
      %select_n3A_799 = arith.select %lt3A_795, %add3A_798, %and3A_792 : vector<16xi1>, vector<16xi32>
      %broadcast_in_dim3A_800 = vector.shape_cast %select_n3A_799 : vector<16xi32> to vector<16x1xi32>
      %gather3A_801 = vector.shape_cast %broadcast_in_dim3A_800 : vector<16x1xi32> to vector<16xi32>
      %gather3A_802 = tpu.dynamic_gather %min3A_786[%gather3A_801] in [0] : vector<16xf32>, vector<16xi32> -> vector<16xf32>
      %min3A_803 = arith.minimumf %min3A_786, %gather3A_802 : vector<16xf32>
      %add3A_804 = arith.constant 2 : i32
      %add3A_805 = vector.broadcast %add3A_804 : i32 to vector<16xi32>
      %add3A_806 = arith.addi %iota3A, %add3A_805 : vector<16xi32>
      %and3A_807 = arith.constant 15 : i32
      %and3A_808 = vector.broadcast %and3A_807 : i32 to vector<16xi32>
      %and3A_809 = arith.andi %add3A_806, %and3A_808 : vector<16xi32>
      %lt3A_810 = arith.constant 0 : i32
      %lt3A_811 = vector.broadcast %lt3A_810 : i32 to vector<16xi32>
      %lt3A_812 = arith.cmpi slt, %and3A_809, %lt3A_811 : vector<16xi32>
      %add3A_813 = arith.constant 16 : i32
      %add3A_814 = vector.broadcast %add3A_813 : i32 to vector<16xi32>
      %add3A_815 = arith.addi %and3A_809, %add3A_814 : vector<16xi32>
      %select_n3A_816 = arith.select %lt3A_812, %add3A_815, %and3A_809 : vector<16xi1>, vector<16xi32>
      %broadcast_in_dim3A_817 = vector.shape_cast %select_n3A_816 : vector<16xi32> to vector<16x1xi32>
      %gather3A_818 = vector.shape_cast %broadcast_in_dim3A_817 : vector<16x1xi32> to vector<16xi32>
      %gather3A_819 = tpu.dynamic_gather %min3A_803[%gather3A_818] in [0] : vector<16xf32>, vector<16xi32> -> vector<16xf32>
      %min3A_820 = arith.minimumf %min3A_803, %gather3A_819 : vector<16xf32>
      %add3A_821 = arith.constant 1 : i32
      %add3A_822 = vector.broadcast %add3A_821 : i32 to vector<16xi32>
      %add3A_823 = arith.addi %iota3A, %add3A_822 : vector<16xi32>
      %and3A_824 = arith.constant 15 : i32
      %and3A_825 = vector.broadcast %and3A_824 : i32 to vector<16xi32>
      %and3A_826 = arith.andi %add3A_823, %and3A_825 : vector<16xi32>
      %lt3A_827 = arith.constant 0 : i32
      %lt3A_828 = vector.broadcast %lt3A_827 : i32 to vector<16xi32>
      %lt3A_829 = arith.cmpi slt, %and3A_826, %lt3A_828 : vector<16xi32>
      %add3A_830 = arith.constant 16 : i32
      %add3A_831 = vector.broadcast %add3A_830 : i32 to vector<16xi32>
      %add3A_832 = arith.addi %and3A_826, %add3A_831 : vector<16xi32>
      %select_n3A_833 = arith.select %lt3A_829, %add3A_832, %and3A_826 : vector<16xi1>, vector<16xi32>
      %broadcast_in_dim3A_834 = vector.shape_cast %select_n3A_833 : vector<16xi32> to vector<16x1xi32>
      %gather3A_835 = vector.shape_cast %broadcast_in_dim3A_834 : vector<16x1xi32> to vector<16xi32>
      %gather3A_836 = tpu.dynamic_gather %min3A_820[%gather3A_835] in [0] : vector<16xf32>, vector<16xi32> -> vector<16xf32>
      %min3A_837 = arith.minimumf %min3A_820, %gather3A_836 : vector<16xf32>
      %select_n3A_838 = arith.select %eq3A_769, %min3A_837, %select_n3A_766 : vector<16xi1>, vector<16xf32>
      %eq3A_839 = arith.constant 10 : i32
      %eq3A_840 = vector.broadcast %eq3A_839 : i32 to vector<16xi32>
      %eq3A_841 = arith.cmpi eq, %iota3A, %eq3A_840 : vector<16xi32>
      %add3A_842 = arith.constant 8 : i32
      %add3A_843 = vector.broadcast %add3A_842 : i32 to vector<16xi32>
      %add3A_844 = arith.addi %iota3A, %add3A_843 : vector<16xi32>
      %and3A_845 = arith.constant 15 : i32
      %and3A_846 = vector.broadcast %and3A_845 : i32 to vector<16xi32>
      %and3A_847 = arith.andi %add3A_844, %and3A_846 : vector<16xi32>
      %lt3A_848 = arith.constant 0 : i32
      %lt3A_849 = vector.broadcast %lt3A_848 : i32 to vector<16xi32>
      %lt3A_850 = arith.cmpi slt, %and3A_847, %lt3A_849 : vector<16xi32>
      %add3A_851 = arith.constant 16 : i32
      %add3A_852 = vector.broadcast %add3A_851 : i32 to vector<16xi32>
      %add3A_853 = arith.addi %and3A_847, %add3A_852 : vector<16xi32>
      %select_n3A_854 = arith.select %lt3A_850, %add3A_853, %and3A_847 : vector<16xi1>, vector<16xi32>
      %broadcast_in_dim3A_855 = vector.shape_cast %select_n3A_854 : vector<16xi32> to vector<16x1xi32>
      %gather3A_856 = vector.shape_cast %broadcast_in_dim3A_855 : vector<16x1xi32> to vector<16xi32>
      %gather3A_857 = tpu.dynamic_gather %scan3A_117#10[%gather3A_856] in [0] : vector<16xf32>, vector<16xi32> -> vector<16xf32>
      %min3A_858 = arith.minimumf %scan3A_117#10, %gather3A_857 : vector<16xf32>
      %add3A_859 = arith.constant 4 : i32
      %add3A_860 = vector.broadcast %add3A_859 : i32 to vector<16xi32>
      %add3A_861 = arith.addi %iota3A, %add3A_860 : vector<16xi32>
      %and3A_862 = arith.constant 15 : i32
      %and3A_863 = vector.broadcast %and3A_862 : i32 to vector<16xi32>
      %and3A_864 = arith.andi %add3A_861, %and3A_863 : vector<16xi32>
      %lt3A_865 = arith.constant 0 : i32
      %lt3A_866 = vector.broadcast %lt3A_865 : i32 to vector<16xi32>
      %lt3A_867 = arith.cmpi slt, %and3A_864, %lt3A_866 : vector<16xi32>
      %add3A_868 = arith.constant 16 : i32
      %add3A_869 = vector.broadcast %add3A_868 : i32 to vector<16xi32>
      %add3A_870 = arith.addi %and3A_864, %add3A_869 : vector<16xi32>
      %select_n3A_871 = arith.select %lt3A_867, %add3A_870, %and3A_864 : vector<16xi1>, vector<16xi32>
      %broadcast_in_dim3A_872 = vector.shape_cast %select_n3A_871 : vector<16xi32> to vector<16x1xi32>
      %gather3A_873 = vector.shape_cast %broadcast_in_dim3A_872 : vector<16x1xi32> to vector<16xi32>
      %gather3A_874 = tpu.dynamic_gather %min3A_858[%gather3A_873] in [0] : vector<16xf32>, vector<16xi32> -> vector<16xf32>
      %min3A_875 = arith.minimumf %min3A_858, %gather3A_874 : vector<16xf32>
      %add3A_876 = arith.constant 2 : i32
      %add3A_877 = vector.broadcast %add3A_876 : i32 to vector<16xi32>
      %add3A_878 = arith.addi %iota3A, %add3A_877 : vector<16xi32>
      %and3A_879 = arith.constant 15 : i32
      %and3A_880 = vector.broadcast %and3A_879 : i32 to vector<16xi32>
      %and3A_881 = arith.andi %add3A_878, %and3A_880 : vector<16xi32>
      %lt3A_882 = arith.constant 0 : i32
      %lt3A_883 = vector.broadcast %lt3A_882 : i32 to vector<16xi32>
      %lt3A_884 = arith.cmpi slt, %and3A_881, %lt3A_883 : vector<16xi32>
      %add3A_885 = arith.constant 16 : i32
      %add3A_886 = vector.broadcast %add3A_885 : i32 to vector<16xi32>
      %add3A_887 = arith.addi %and3A_881, %add3A_886 : vector<16xi32>
      %select_n3A_888 = arith.select %lt3A_884, %add3A_887, %and3A_881 : vector<16xi1>, vector<16xi32>
      %broadcast_in_dim3A_889 = vector.shape_cast %select_n3A_888 : vector<16xi32> to vector<16x1xi32>
      %gather3A_890 = vector.shape_cast %broadcast_in_dim3A_889 : vector<16x1xi32> to vector<16xi32>
      %gather3A_891 = tpu.dynamic_gather %min3A_875[%gather3A_890] in [0] : vector<16xf32>, vector<16xi32> -> vector<16xf32>
      %min3A_892 = arith.minimumf %min3A_875, %gather3A_891 : vector<16xf32>
      %add3A_893 = arith.constant 1 : i32
      %add3A_894 = vector.broadcast %add3A_893 : i32 to vector<16xi32>
      %add3A_895 = arith.addi %iota3A, %add3A_894 : vector<16xi32>
      %and3A_896 = arith.constant 15 : i32
      %and3A_897 = vector.broadcast %and3A_896 : i32 to vector<16xi32>
      %and3A_898 = arith.andi %add3A_895, %and3A_897 : vector<16xi32>
      %lt3A_899 = arith.constant 0 : i32
      %lt3A_900 = vector.broadcast %lt3A_899 : i32 to vector<16xi32>
      %lt3A_901 = arith.cmpi slt, %and3A_898, %lt3A_900 : vector<16xi32>
      %add3A_902 = arith.constant 16 : i32
      %add3A_903 = vector.broadcast %add3A_902 : i32 to vector<16xi32>
      %add3A_904 = arith.addi %and3A_898, %add3A_903 : vector<16xi32>
      %select_n3A_905 = arith.select %lt3A_901, %add3A_904, %and3A_898 : vector<16xi1>, vector<16xi32>
      %broadcast_in_dim3A_906 = vector.shape_cast %select_n3A_905 : vector<16xi32> to vector<16x1xi32>
      %gather3A_907 = vector.shape_cast %broadcast_in_dim3A_906 : vector<16x1xi32> to vector<16xi32>
      %gather3A_908 = tpu.dynamic_gather %min3A_892[%gather3A_907] in [0] : vector<16xf32>, vector<16xi32> -> vector<16xf32>
      %min3A_909 = arith.minimumf %min3A_892, %gather3A_908 : vector<16xf32>
      %select_n3A_910 = arith.select %eq3A_841, %min3A_909, %select_n3A_838 : vector<16xi1>, vector<16xf32>
      %eq3A_911 = arith.constant 11 : i32
      %eq3A_912 = vector.broadcast %eq3A_911 : i32 to vector<16xi32>
      %eq3A_913 = arith.cmpi eq, %iota3A, %eq3A_912 : vector<16xi32>
      %add3A_914 = arith.constant 8 : i32
      %add3A_915 = vector.broadcast %add3A_914 : i32 to vector<16xi32>
      %add3A_916 = arith.addi %iota3A, %add3A_915 : vector<16xi32>
      %and3A_917 = arith.constant 15 : i32
      %and3A_918 = vector.broadcast %and3A_917 : i32 to vector<16xi32>
      %and3A_919 = arith.andi %add3A_916, %and3A_918 : vector<16xi32>
      %lt3A_920 = arith.constant 0 : i32
      %lt3A_921 = vector.broadcast %lt3A_920 : i32 to vector<16xi32>
      %lt3A_922 = arith.cmpi slt, %and3A_919, %lt3A_921 : vector<16xi32>
      %add3A_923 = arith.constant 16 : i32
      %add3A_924 = vector.broadcast %add3A_923 : i32 to vector<16xi32>
      %add3A_925 = arith.addi %and3A_919, %add3A_924 : vector<16xi32>
      %select_n3A_926 = arith.select %lt3A_922, %add3A_925, %and3A_919 : vector<16xi1>, vector<16xi32>
      %broadcast_in_dim3A_927 = vector.shape_cast %select_n3A_926 : vector<16xi32> to vector<16x1xi32>
      %gather3A_928 = vector.shape_cast %broadcast_in_dim3A_927 : vector<16x1xi32> to vector<16xi32>
      %gather3A_929 = tpu.dynamic_gather %scan3A_117#11[%gather3A_928] in [0] : vector<16xf32>, vector<16xi32> -> vector<16xf32>
      %min3A_930 = arith.minimumf %scan3A_117#11, %gather3A_929 : vector<16xf32>
      %add3A_931 = arith.constant 4 : i32
      %add3A_932 = vector.broadcast %add3A_931 : i32 to vector<16xi32>
      %add3A_933 = arith.addi %iota3A, %add3A_932 : vector<16xi32>
      %and3A_934 = arith.constant 15 : i32
      %and3A_935 = vector.broadcast %and3A_934 : i32 to vector<16xi32>
      %and3A_936 = arith.andi %add3A_933, %and3A_935 : vector<16xi32>
      %lt3A_937 = arith.constant 0 : i32
      %lt3A_938 = vector.broadcast %lt3A_937 : i32 to vector<16xi32>
      %lt3A_939 = arith.cmpi slt, %and3A_936, %lt3A_938 : vector<16xi32>
      %add3A_940 = arith.constant 16 : i32
      %add3A_941 = vector.broadcast %add3A_940 : i32 to vector<16xi32>
      %add3A_942 = arith.addi %and3A_936, %add3A_941 : vector<16xi32>
      %select_n3A_943 = arith.select %lt3A_939, %add3A_942, %and3A_936 : vector<16xi1>, vector<16xi32>
      %broadcast_in_dim3A_944 = vector.shape_cast %select_n3A_943 : vector<16xi32> to vector<16x1xi32>
      %gather3A_945 = vector.shape_cast %broadcast_in_dim3A_944 : vector<16x1xi32> to vector<16xi32>
      %gather3A_946 = tpu.dynamic_gather %min3A_930[%gather3A_945] in [0] : vector<16xf32>, vector<16xi32> -> vector<16xf32>
      %min3A_947 = arith.minimumf %min3A_930, %gather3A_946 : vector<16xf32>
      %add3A_948 = arith.constant 2 : i32
      %add3A_949 = vector.broadcast %add3A_948 : i32 to vector<16xi32>
      %add3A_950 = arith.addi %iota3A, %add3A_949 : vector<16xi32>
      %and3A_951 = arith.constant 15 : i32
      %and3A_952 = vector.broadcast %and3A_951 : i32 to vector<16xi32>
      %and3A_953 = arith.andi %add3A_950, %and3A_952 : vector<16xi32>
      %lt3A_954 = arith.constant 0 : i32
      %lt3A_955 = vector.broadcast %lt3A_954 : i32 to vector<16xi32>
      %lt3A_956 = arith.cmpi slt, %and3A_953, %lt3A_955 : vector<16xi32>
      %add3A_957 = arith.constant 16 : i32
      %add3A_958 = vector.broadcast %add3A_957 : i32 to vector<16xi32>
      %add3A_959 = arith.addi %and3A_953, %add3A_958 : vector<16xi32>
      %select_n3A_960 = arith.select %lt3A_956, %add3A_959, %and3A_953 : vector<16xi1>, vector<16xi32>
      %broadcast_in_dim3A_961 = vector.shape_cast %select_n3A_960 : vector<16xi32> to vector<16x1xi32>
      %gather3A_962 = vector.shape_cast %broadcast_in_dim3A_961 : vector<16x1xi32> to vector<16xi32>
      %gather3A_963 = tpu.dynamic_gather %min3A_947[%gather3A_962] in [0] : vector<16xf32>, vector<16xi32> -> vector<16xf32>
      %min3A_964 = arith.minimumf %min3A_947, %gather3A_963 : vector<16xf32>
      %add3A_965 = arith.constant 1 : i32
      %add3A_966 = vector.broadcast %add3A_965 : i32 to vector<16xi32>
      %add3A_967 = arith.addi %iota3A, %add3A_966 : vector<16xi32>
      %and3A_968 = arith.constant 15 : i32
      %and3A_969 = vector.broadcast %and3A_968 : i32 to vector<16xi32>
      %and3A_970 = arith.andi %add3A_967, %and3A_969 : vector<16xi32>
      %lt3A_971 = arith.constant 0 : i32
      %lt3A_972 = vector.broadcast %lt3A_971 : i32 to vector<16xi32>
      %lt3A_973 = arith.cmpi slt, %and3A_970, %lt3A_972 : vector<16xi32>
      %add3A_974 = arith.constant 16 : i32
      %add3A_975 = vector.broadcast %add3A_974 : i32 to vector<16xi32>
      %add3A_976 = arith.addi %and3A_970, %add3A_975 : vector<16xi32>
      %select_n3A_977 = arith.select %lt3A_973, %add3A_976, %and3A_970 : vector<16xi1>, vector<16xi32>
      %broadcast_in_dim3A_978 = vector.shape_cast %select_n3A_977 : vector<16xi32> to vector<16x1xi32>
      %gather3A_979 = vector.shape_cast %broadcast_in_dim3A_978 : vector<16x1xi32> to vector<16xi32>
      %gather3A_980 = tpu.dynamic_gather %min3A_964[%gather3A_979] in [0] : vector<16xf32>, vector<16xi32> -> vector<16xf32>
      %min3A_981 = arith.minimumf %min3A_964, %gather3A_980 : vector<16xf32>
      %select_n3A_982 = arith.select %eq3A_913, %min3A_981, %select_n3A_910 : vector<16xi1>, vector<16xf32>
      %eq3A_983 = arith.constant 12 : i32
      %eq3A_984 = vector.broadcast %eq3A_983 : i32 to vector<16xi32>
      %eq3A_985 = arith.cmpi eq, %iota3A, %eq3A_984 : vector<16xi32>
      %add3A_986 = arith.constant 8 : i32
      %add3A_987 = vector.broadcast %add3A_986 : i32 to vector<16xi32>
      %add3A_988 = arith.addi %iota3A, %add3A_987 : vector<16xi32>
      %and3A_989 = arith.constant 15 : i32
      %and3A_990 = vector.broadcast %and3A_989 : i32 to vector<16xi32>
      %and3A_991 = arith.andi %add3A_988, %and3A_990 : vector<16xi32>
      %lt3A_992 = arith.constant 0 : i32
      %lt3A_993 = vector.broadcast %lt3A_992 : i32 to vector<16xi32>
      %lt3A_994 = arith.cmpi slt, %and3A_991, %lt3A_993 : vector<16xi32>
      %add3A_995 = arith.constant 16 : i32
      %add3A_996 = vector.broadcast %add3A_995 : i32 to vector<16xi32>
      %add3A_997 = arith.addi %and3A_991, %add3A_996 : vector<16xi32>
      %select_n3A_998 = arith.select %lt3A_994, %add3A_997, %and3A_991 : vector<16xi1>, vector<16xi32>
      %broadcast_in_dim3A_999 = vector.shape_cast %select_n3A_998 : vector<16xi32> to vector<16x1xi32>
      %gather3A_1000 = vector.shape_cast %broadcast_in_dim3A_999 : vector<16x1xi32> to vector<16xi32>
      %gather3A_1001 = tpu.dynamic_gather %scan3A_117#12[%gather3A_1000] in [0] : vector<16xf32>, vector<16xi32> -> vector<16xf32>
      %min3A_1002 = arith.minimumf %scan3A_117#12, %gather3A_1001 : vector<16xf32>
      %add3A_1003 = arith.constant 4 : i32
      %add3A_1004 = vector.broadcast %add3A_1003 : i32 to vector<16xi32>
      %add3A_1005 = arith.addi %iota3A, %add3A_1004 : vector<16xi32>
      %and3A_1006 = arith.constant 15 : i32
      %and3A_1007 = vector.broadcast %and3A_1006 : i32 to vector<16xi32>
      %and3A_1008 = arith.andi %add3A_1005, %and3A_1007 : vector<16xi32>
      %lt3A_1009 = arith.constant 0 : i32
      %lt3A_1010 = vector.broadcast %lt3A_1009 : i32 to vector<16xi32>
      %lt3A_1011 = arith.cmpi slt, %and3A_1008, %lt3A_1010 : vector<16xi32>
      %add3A_1012 = arith.constant 16 : i32
      %add3A_1013 = vector.broadcast %add3A_1012 : i32 to vector<16xi32>
      %add3A_1014 = arith.addi %and3A_1008, %add3A_1013 : vector<16xi32>
      %select_n3A_1015 = arith.select %lt3A_1011, %add3A_1014, %and3A_1008 : vector<16xi1>, vector<16xi32>
      %broadcast_in_dim3A_1016 = vector.shape_cast %select_n3A_1015 : vector<16xi32> to vector<16x1xi32>
      %gather3A_1017 = vector.shape_cast %broadcast_in_dim3A_1016 : vector<16x1xi32> to vector<16xi32>
      %gather3A_1018 = tpu.dynamic_gather %min3A_1002[%gather3A_1017] in [0] : vector<16xf32>, vector<16xi32> -> vector<16xf32>
      %min3A_1019 = arith.minimumf %min3A_1002, %gather3A_1018 : vector<16xf32>
      %add3A_1020 = arith.constant 2 : i32
      %add3A_1021 = vector.broadcast %add3A_1020 : i32 to vector<16xi32>
      %add3A_1022 = arith.addi %iota3A, %add3A_1021 : vector<16xi32>
      %and3A_1023 = arith.constant 15 : i32
      %and3A_1024 = vector.broadcast %and3A_1023 : i32 to vector<16xi32>
      %and3A_1025 = arith.andi %add3A_1022, %and3A_1024 : vector<16xi32>
      %lt3A_1026 = arith.constant 0 : i32
      %lt3A_1027 = vector.broadcast %lt3A_1026 : i32 to vector<16xi32>
      %lt3A_1028 = arith.cmpi slt, %and3A_1025, %lt3A_1027 : vector<16xi32>
      %add3A_1029 = arith.constant 16 : i32
      %add3A_1030 = vector.broadcast %add3A_1029 : i32 to vector<16xi32>
      %add3A_1031 = arith.addi %and3A_1025, %add3A_1030 : vector<16xi32>
      %select_n3A_1032 = arith.select %lt3A_1028, %add3A_1031, %and3A_1025 : vector<16xi1>, vector<16xi32>
      %broadcast_in_dim3A_1033 = vector.shape_cast %select_n3A_1032 : vector<16xi32> to vector<16x1xi32>
      %gather3A_1034 = vector.shape_cast %broadcast_in_dim3A_1033 : vector<16x1xi32> to vector<16xi32>
      %gather3A_1035 = tpu.dynamic_gather %min3A_1019[%gather3A_1034] in [0] : vector<16xf32>, vector<16xi32> -> vector<16xf32>
      %min3A_1036 = arith.minimumf %min3A_1019, %gather3A_1035 : vector<16xf32>
      %add3A_1037 = arith.constant 1 : i32
      %add3A_1038 = vector.broadcast %add3A_1037 : i32 to vector<16xi32>
      %add3A_1039 = arith.addi %iota3A, %add3A_1038 : vector<16xi32>
      %and3A_1040 = arith.constant 15 : i32
      %and3A_1041 = vector.broadcast %and3A_1040 : i32 to vector<16xi32>
      %and3A_1042 = arith.andi %add3A_1039, %and3A_1041 : vector<16xi32>
      %lt3A_1043 = arith.constant 0 : i32
      %lt3A_1044 = vector.broadcast %lt3A_1043 : i32 to vector<16xi32>
      %lt3A_1045 = arith.cmpi slt, %and3A_1042, %lt3A_1044 : vector<16xi32>
      %add3A_1046 = arith.constant 16 : i32
      %add3A_1047 = vector.broadcast %add3A_1046 : i32 to vector<16xi32>
      %add3A_1048 = arith.addi %and3A_1042, %add3A_1047 : vector<16xi32>
      %select_n3A_1049 = arith.select %lt3A_1045, %add3A_1048, %and3A_1042 : vector<16xi1>, vector<16xi32>
      %broadcast_in_dim3A_1050 = vector.shape_cast %select_n3A_1049 : vector<16xi32> to vector<16x1xi32>
      %gather3A_1051 = vector.shape_cast %broadcast_in_dim3A_1050 : vector<16x1xi32> to vector<16xi32>
      %gather3A_1052 = tpu.dynamic_gather %min3A_1036[%gather3A_1051] in [0] : vector<16xf32>, vector<16xi32> -> vector<16xf32>
      %min3A_1053 = arith.minimumf %min3A_1036, %gather3A_1052 : vector<16xf32>
      %select_n3A_1054 = arith.select %eq3A_985, %min3A_1053, %select_n3A_982 : vector<16xi1>, vector<16xf32>
      %eq3A_1055 = arith.constant 13 : i32
      %eq3A_1056 = vector.broadcast %eq3A_1055 : i32 to vector<16xi32>
      %eq3A_1057 = arith.cmpi eq, %iota3A, %eq3A_1056 : vector<16xi32>
      %add3A_1058 = arith.constant 8 : i32
      %add3A_1059 = vector.broadcast %add3A_1058 : i32 to vector<16xi32>
      %add3A_1060 = arith.addi %iota3A, %add3A_1059 : vector<16xi32>
      %and3A_1061 = arith.constant 15 : i32
      %and3A_1062 = vector.broadcast %and3A_1061 : i32 to vector<16xi32>
      %and3A_1063 = arith.andi %add3A_1060, %and3A_1062 : vector<16xi32>
      %lt3A_1064 = arith.constant 0 : i32
      %lt3A_1065 = vector.broadcast %lt3A_1064 : i32 to vector<16xi32>
      %lt3A_1066 = arith.cmpi slt, %and3A_1063, %lt3A_1065 : vector<16xi32>
      %add3A_1067 = arith.constant 16 : i32
      %add3A_1068 = vector.broadcast %add3A_1067 : i32 to vector<16xi32>
      %add3A_1069 = arith.addi %and3A_1063, %add3A_1068 : vector<16xi32>
      %select_n3A_1070 = arith.select %lt3A_1066, %add3A_1069, %and3A_1063 : vector<16xi1>, vector<16xi32>
      %broadcast_in_dim3A_1071 = vector.shape_cast %select_n3A_1070 : vector<16xi32> to vector<16x1xi32>
      %gather3A_1072 = vector.shape_cast %broadcast_in_dim3A_1071 : vector<16x1xi32> to vector<16xi32>
      %gather3A_1073 = tpu.dynamic_gather %scan3A_117#13[%gather3A_1072] in [0] : vector<16xf32>, vector<16xi32> -> vector<16xf32>
      %min3A_1074 = arith.minimumf %scan3A_117#13, %gather3A_1073 : vector<16xf32>
      %add3A_1075 = arith.constant 4 : i32
      %add3A_1076 = vector.broadcast %add3A_1075 : i32 to vector<16xi32>
      %add3A_1077 = arith.addi %iota3A, %add3A_1076 : vector<16xi32>
      %and3A_1078 = arith.constant 15 : i32
      %and3A_1079 = vector.broadcast %and3A_1078 : i32 to vector<16xi32>
      %and3A_1080 = arith.andi %add3A_1077, %and3A_1079 : vector<16xi32>
      %lt3A_1081 = arith.constant 0 : i32
      %lt3A_1082 = vector.broadcast %lt3A_1081 : i32 to vector<16xi32>
      %lt3A_1083 = arith.cmpi slt, %and3A_1080, %lt3A_1082 : vector<16xi32>
      %add3A_1084 = arith.constant 16 : i32
      %add3A_1085 = vector.broadcast %add3A_1084 : i32 to vector<16xi32>
      %add3A_1086 = arith.addi %and3A_1080, %add3A_1085 : vector<16xi32>
      %select_n3A_1087 = arith.select %lt3A_1083, %add3A_1086, %and3A_1080 : vector<16xi1>, vector<16xi32>
      %broadcast_in_dim3A_1088 = vector.shape_cast %select_n3A_1087 : vector<16xi32> to vector<16x1xi32>
      %gather3A_1089 = vector.shape_cast %broadcast_in_dim3A_1088 : vector<16x1xi32> to vector<16xi32>
      %gather3A_1090 = tpu.dynamic_gather %min3A_1074[%gather3A_1089] in [0] : vector<16xf32>, vector<16xi32> -> vector<16xf32>
      %min3A_1091 = arith.minimumf %min3A_1074, %gather3A_1090 : vector<16xf32>
      %add3A_1092 = arith.constant 2 : i32
      %add3A_1093 = vector.broadcast %add3A_1092 : i32 to vector<16xi32>
      %add3A_1094 = arith.addi %iota3A, %add3A_1093 : vector<16xi32>
      %and3A_1095 = arith.constant 15 : i32
      %and3A_1096 = vector.broadcast %and3A_1095 : i32 to vector<16xi32>
      %and3A_1097 = arith.andi %add3A_1094, %and3A_1096 : vector<16xi32>
      %lt3A_1098 = arith.constant 0 : i32
      %lt3A_1099 = vector.broadcast %lt3A_1098 : i32 to vector<16xi32>
      %lt3A_1100 = arith.cmpi slt, %and3A_1097, %lt3A_1099 : vector<16xi32>
      %add3A_1101 = arith.constant 16 : i32
      %add3A_1102 = vector.broadcast %add3A_1101 : i32 to vector<16xi32>
      %add3A_1103 = arith.addi %and3A_1097, %add3A_1102 : vector<16xi32>
      %select_n3A_1104 = arith.select %lt3A_1100, %add3A_1103, %and3A_1097 : vector<16xi1>, vector<16xi32>
      %broadcast_in_dim3A_1105 = vector.shape_cast %select_n3A_1104 : vector<16xi32> to vector<16x1xi32>
      %gather3A_1106 = vector.shape_cast %broadcast_in_dim3A_1105 : vector<16x1xi32> to vector<16xi32>
      %gather3A_1107 = tpu.dynamic_gather %min3A_1091[%gather3A_1106] in [0] : vector<16xf32>, vector<16xi32> -> vector<16xf32>
      %min3A_1108 = arith.minimumf %min3A_1091, %gather3A_1107 : vector<16xf32>
      %add3A_1109 = arith.constant 1 : i32
      %add3A_1110 = vector.broadcast %add3A_1109 : i32 to vector<16xi32>
      %add3A_1111 = arith.addi %iota3A, %add3A_1110 : vector<16xi32>
      %and3A_1112 = arith.constant 15 : i32
      %and3A_1113 = vector.broadcast %and3A_1112 : i32 to vector<16xi32>
      %and3A_1114 = arith.andi %add3A_1111, %and3A_1113 : vector<16xi32>
      %lt3A_1115 = arith.constant 0 : i32
      %lt3A_1116 = vector.broadcast %lt3A_1115 : i32 to vector<16xi32>
      %lt3A_1117 = arith.cmpi slt, %and3A_1114, %lt3A_1116 : vector<16xi32>
      %add3A_1118 = arith.constant 16 : i32
      %add3A_1119 = vector.broadcast %add3A_1118 : i32 to vector<16xi32>
      %add3A_1120 = arith.addi %and3A_1114, %add3A_1119 : vector<16xi32>
      %select_n3A_1121 = arith.select %lt3A_1117, %add3A_1120, %and3A_1114 : vector<16xi1>, vector<16xi32>
      %broadcast_in_dim3A_1122 = vector.shape_cast %select_n3A_1121 : vector<16xi32> to vector<16x1xi32>
      %gather3A_1123 = vector.shape_cast %broadcast_in_dim3A_1122 : vector<16x1xi32> to vector<16xi32>
      %gather3A_1124 = tpu.dynamic_gather %min3A_1108[%gather3A_1123] in [0] : vector<16xf32>, vector<16xi32> -> vector<16xf32>
      %min3A_1125 = arith.minimumf %min3A_1108, %gather3A_1124 : vector<16xf32>
      %select_n3A_1126 = arith.select %eq3A_1057, %min3A_1125, %select_n3A_1054 : vector<16xi1>, vector<16xf32>
      %eq3A_1127 = arith.constant 14 : i32
      %eq3A_1128 = vector.broadcast %eq3A_1127 : i32 to vector<16xi32>
      %eq3A_1129 = arith.cmpi eq, %iota3A, %eq3A_1128 : vector<16xi32>
      %add3A_1130 = arith.constant 8 : i32
      %add3A_1131 = vector.broadcast %add3A_1130 : i32 to vector<16xi32>
      %add3A_1132 = arith.addi %iota3A, %add3A_1131 : vector<16xi32>
      %and3A_1133 = arith.constant 15 : i32
      %and3A_1134 = vector.broadcast %and3A_1133 : i32 to vector<16xi32>
      %and3A_1135 = arith.andi %add3A_1132, %and3A_1134 : vector<16xi32>
      %lt3A_1136 = arith.constant 0 : i32
      %lt3A_1137 = vector.broadcast %lt3A_1136 : i32 to vector<16xi32>
      %lt3A_1138 = arith.cmpi slt, %and3A_1135, %lt3A_1137 : vector<16xi32>
      %add3A_1139 = arith.constant 16 : i32
      %add3A_1140 = vector.broadcast %add3A_1139 : i32 to vector<16xi32>
      %add3A_1141 = arith.addi %and3A_1135, %add3A_1140 : vector<16xi32>
      %select_n3A_1142 = arith.select %lt3A_1138, %add3A_1141, %and3A_1135 : vector<16xi1>, vector<16xi32>
      %broadcast_in_dim3A_1143 = vector.shape_cast %select_n3A_1142 : vector<16xi32> to vector<16x1xi32>
      %gather3A_1144 = vector.shape_cast %broadcast_in_dim3A_1143 : vector<16x1xi32> to vector<16xi32>
      %gather3A_1145 = tpu.dynamic_gather %scan3A_117#14[%gather3A_1144] in [0] : vector<16xf32>, vector<16xi32> -> vector<16xf32>
      %min3A_1146 = arith.minimumf %scan3A_117#14, %gather3A_1145 : vector<16xf32>
      %add3A_1147 = arith.constant 4 : i32
      %add3A_1148 = vector.broadcast %add3A_1147 : i32 to vector<16xi32>
      %add3A_1149 = arith.addi %iota3A, %add3A_1148 : vector<16xi32>
      %and3A_1150 = arith.constant 15 : i32
      %and3A_1151 = vector.broadcast %and3A_1150 : i32 to vector<16xi32>
      %and3A_1152 = arith.andi %add3A_1149, %and3A_1151 : vector<16xi32>
      %lt3A_1153 = arith.constant 0 : i32
      %lt3A_1154 = vector.broadcast %lt3A_1153 : i32 to vector<16xi32>
      %lt3A_1155 = arith.cmpi slt, %and3A_1152, %lt3A_1154 : vector<16xi32>
      %add3A_1156 = arith.constant 16 : i32
      %add3A_1157 = vector.broadcast %add3A_1156 : i32 to vector<16xi32>
      %add3A_1158 = arith.addi %and3A_1152, %add3A_1157 : vector<16xi32>
      %select_n3A_1159 = arith.select %lt3A_1155, %add3A_1158, %and3A_1152 : vector<16xi1>, vector<16xi32>
      %broadcast_in_dim3A_1160 = vector.shape_cast %select_n3A_1159 : vector<16xi32> to vector<16x1xi32>
      %gather3A_1161 = vector.shape_cast %broadcast_in_dim3A_1160 : vector<16x1xi32> to vector<16xi32>
      %gather3A_1162 = tpu.dynamic_gather %min3A_1146[%gather3A_1161] in [0] : vector<16xf32>, vector<16xi32> -> vector<16xf32>
      %min3A_1163 = arith.minimumf %min3A_1146, %gather3A_1162 : vector<16xf32>
      %add3A_1164 = arith.constant 2 : i32
      %add3A_1165 = vector.broadcast %add3A_1164 : i32 to vector<16xi32>
      %add3A_1166 = arith.addi %iota3A, %add3A_1165 : vector<16xi32>
      %and3A_1167 = arith.constant 15 : i32
      %and3A_1168 = vector.broadcast %and3A_1167 : i32 to vector<16xi32>
      %and3A_1169 = arith.andi %add3A_1166, %and3A_1168 : vector<16xi32>
      %lt3A_1170 = arith.constant 0 : i32
      %lt3A_1171 = vector.broadcast %lt3A_1170 : i32 to vector<16xi32>
      %lt3A_1172 = arith.cmpi slt, %and3A_1169, %lt3A_1171 : vector<16xi32>
      %add3A_1173 = arith.constant 16 : i32
      %add3A_1174 = vector.broadcast %add3A_1173 : i32 to vector<16xi32>
      %add3A_1175 = arith.addi %and3A_1169, %add3A_1174 : vector<16xi32>
      %select_n3A_1176 = arith.select %lt3A_1172, %add3A_1175, %and3A_1169 : vector<16xi1>, vector<16xi32>
      %broadcast_in_dim3A_1177 = vector.shape_cast %select_n3A_1176 : vector<16xi32> to vector<16x1xi32>
      %gather3A_1178 = vector.shape_cast %broadcast_in_dim3A_1177 : vector<16x1xi32> to vector<16xi32>
      %gather3A_1179 = tpu.dynamic_gather %min3A_1163[%gather3A_1178] in [0] : vector<16xf32>, vector<16xi32> -> vector<16xf32>
      %min3A_1180 = arith.minimumf %min3A_1163, %gather3A_1179 : vector<16xf32>
      %add3A_1181 = arith.constant 1 : i32
      %add3A_1182 = vector.broadcast %add3A_1181 : i32 to vector<16xi32>
      %add3A_1183 = arith.addi %iota3A, %add3A_1182 : vector<16xi32>
      %and3A_1184 = arith.constant 15 : i32
      %and3A_1185 = vector.broadcast %and3A_1184 : i32 to vector<16xi32>
      %and3A_1186 = arith.andi %add3A_1183, %and3A_1185 : vector<16xi32>
      %lt3A_1187 = arith.constant 0 : i32
      %lt3A_1188 = vector.broadcast %lt3A_1187 : i32 to vector<16xi32>
      %lt3A_1189 = arith.cmpi slt, %and3A_1186, %lt3A_1188 : vector<16xi32>
      %add3A_1190 = arith.constant 16 : i32
      %add3A_1191 = vector.broadcast %add3A_1190 : i32 to vector<16xi32>
      %add3A_1192 = arith.addi %and3A_1186, %add3A_1191 : vector<16xi32>
      %select_n3A_1193 = arith.select %lt3A_1189, %add3A_1192, %and3A_1186 : vector<16xi1>, vector<16xi32>
      %broadcast_in_dim3A_1194 = vector.shape_cast %select_n3A_1193 : vector<16xi32> to vector<16x1xi32>
      %gather3A_1195 = vector.shape_cast %broadcast_in_dim3A_1194 : vector<16x1xi32> to vector<16xi32>
      %gather3A_1196 = tpu.dynamic_gather %min3A_1180[%gather3A_1195] in [0] : vector<16xf32>, vector<16xi32> -> vector<16xf32>
      %min3A_1197 = arith.minimumf %min3A_1180, %gather3A_1196 : vector<16xf32>
      %select_n3A_1198 = arith.select %eq3A_1129, %min3A_1197, %select_n3A_1126 : vector<16xi1>, vector<16xf32>
      %eq3A_1199 = arith.constant 15 : i32
      %eq3A_1200 = vector.broadcast %eq3A_1199 : i32 to vector<16xi32>
      %eq3A_1201 = arith.cmpi eq, %iota3A, %eq3A_1200 : vector<16xi32>
      %add3A_1202 = arith.constant 8 : i32
      %add3A_1203 = vector.broadcast %add3A_1202 : i32 to vector<16xi32>
      %add3A_1204 = arith.addi %iota3A, %add3A_1203 : vector<16xi32>
      %and3A_1205 = arith.constant 15 : i32
      %and3A_1206 = vector.broadcast %and3A_1205 : i32 to vector<16xi32>
      %and3A_1207 = arith.andi %add3A_1204, %and3A_1206 : vector<16xi32>
      %lt3A_1208 = arith.constant 0 : i32
      %lt3A_1209 = vector.broadcast %lt3A_1208 : i32 to vector<16xi32>
      %lt3A_1210 = arith.cmpi slt, %and3A_1207, %lt3A_1209 : vector<16xi32>
      %add3A_1211 = arith.constant 16 : i32
      %add3A_1212 = vector.broadcast %add3A_1211 : i32 to vector<16xi32>
      %add3A_1213 = arith.addi %and3A_1207, %add3A_1212 : vector<16xi32>
      %select_n3A_1214 = arith.select %lt3A_1210, %add3A_1213, %and3A_1207 : vector<16xi1>, vector<16xi32>
      %broadcast_in_dim3A_1215 = vector.shape_cast %select_n3A_1214 : vector<16xi32> to vector<16x1xi32>
      %gather3A_1216 = vector.shape_cast %broadcast_in_dim3A_1215 : vector<16x1xi32> to vector<16xi32>
      %gather3A_1217 = tpu.dynamic_gather %scan3A_117#15[%gather3A_1216] in [0] : vector<16xf32>, vector<16xi32> -> vector<16xf32>
      %min3A_1218 = arith.minimumf %scan3A_117#15, %gather3A_1217 : vector<16xf32>
      %add3A_1219 = arith.constant 4 : i32
      %add3A_1220 = vector.broadcast %add3A_1219 : i32 to vector<16xi32>
      %add3A_1221 = arith.addi %iota3A, %add3A_1220 : vector<16xi32>
      %and3A_1222 = arith.constant 15 : i32
      %and3A_1223 = vector.broadcast %and3A_1222 : i32 to vector<16xi32>
      %and3A_1224 = arith.andi %add3A_1221, %and3A_1223 : vector<16xi32>
      %lt3A_1225 = arith.constant 0 : i32
      %lt3A_1226 = vector.broadcast %lt3A_1225 : i32 to vector<16xi32>
      %lt3A_1227 = arith.cmpi slt, %and3A_1224, %lt3A_1226 : vector<16xi32>
      %add3A_1228 = arith.constant 16 : i32
      %add3A_1229 = vector.broadcast %add3A_1228 : i32 to vector<16xi32>
      %add3A_1230 = arith.addi %and3A_1224, %add3A_1229 : vector<16xi32>
      %select_n3A_1231 = arith.select %lt3A_1227, %add3A_1230, %and3A_1224 : vector<16xi1>, vector<16xi32>
      %broadcast_in_dim3A_1232 = vector.shape_cast %select_n3A_1231 : vector<16xi32> to vector<16x1xi32>
      %gather3A_1233 = vector.shape_cast %broadcast_in_dim3A_1232 : vector<16x1xi32> to vector<16xi32>
      %gather3A_1234 = tpu.dynamic_gather %min3A_1218[%gather3A_1233] in [0] : vector<16xf32>, vector<16xi32> -> vector<16xf32>
      %min3A_1235 = arith.minimumf %min3A_1218, %gather3A_1234 : vector<16xf32>
      %add3A_1236 = arith.constant 2 : i32
      %add3A_1237 = vector.broadcast %add3A_1236 : i32 to vector<16xi32>
      %add3A_1238 = arith.addi %iota3A, %add3A_1237 : vector<16xi32>
      %and3A_1239 = arith.constant 15 : i32
      %and3A_1240 = vector.broadcast %and3A_1239 : i32 to vector<16xi32>
      %and3A_1241 = arith.andi %add3A_1238, %and3A_1240 : vector<16xi32>
      %lt3A_1242 = arith.constant 0 : i32
      %lt3A_1243 = vector.broadcast %lt3A_1242 : i32 to vector<16xi32>
      %lt3A_1244 = arith.cmpi slt, %and3A_1241, %lt3A_1243 : vector<16xi32>
      %add3A_1245 = arith.constant 16 : i32
      %add3A_1246 = vector.broadcast %add3A_1245 : i32 to vector<16xi32>
      %add3A_1247 = arith.addi %and3A_1241, %add3A_1246 : vector<16xi32>
      %select_n3A_1248 = arith.select %lt3A_1244, %add3A_1247, %and3A_1241 : vector<16xi1>, vector<16xi32>
      %broadcast_in_dim3A_1249 = vector.shape_cast %select_n3A_1248 : vector<16xi32> to vector<16x1xi32>
      %gather3A_1250 = vector.shape_cast %broadcast_in_dim3A_1249 : vector<16x1xi32> to vector<16xi32>
      %gather3A_1251 = tpu.dynamic_gather %min3A_1235[%gather3A_1250] in [0] : vector<16xf32>, vector<16xi32> -> vector<16xf32>
      %min3A_1252 = arith.minimumf %min3A_1235, %gather3A_1251 : vector<16xf32>
      %add3A_1253 = arith.constant 1 : i32
      %add3A_1254 = vector.broadcast %add3A_1253 : i32 to vector<16xi32>
      %add3A_1255 = arith.addi %iota3A, %add3A_1254 : vector<16xi32>
      %and3A_1256 = arith.constant 15 : i32
      %and3A_1257 = vector.broadcast %and3A_1256 : i32 to vector<16xi32>
      %and3A_1258 = arith.andi %add3A_1255, %and3A_1257 : vector<16xi32>
      %lt3A_1259 = arith.constant 0 : i32
      %lt3A_1260 = vector.broadcast %lt3A_1259 : i32 to vector<16xi32>
      %lt3A_1261 = arith.cmpi slt, %and3A_1258, %lt3A_1260 : vector<16xi32>
      %add3A_1262 = arith.constant 16 : i32
      %add3A_1263 = vector.broadcast %add3A_1262 : i32 to vector<16xi32>
      %add3A_1264 = arith.addi %and3A_1258, %add3A_1263 : vector<16xi32>
      %select_n3A_1265 = arith.select %lt3A_1261, %add3A_1264, %and3A_1258 : vector<16xi1>, vector<16xi32>
      %broadcast_in_dim3A_1266 = vector.shape_cast %select_n3A_1265 : vector<16xi32> to vector<16x1xi32>
      %gather3A_1267 = vector.shape_cast %broadcast_in_dim3A_1266 : vector<16x1xi32> to vector<16xi32>
      %gather3A_1268 = tpu.dynamic_gather %min3A_1252[%gather3A_1267] in [0] : vector<16xf32>, vector<16xi32> -> vector<16xf32>
      %min3A_1269 = arith.minimumf %min3A_1252, %gather3A_1268 : vector<16xf32>
      %select_n3A_1270 = arith.select %eq3A_1201, %min3A_1269, %select_n3A_1198 : vector<16xi1>, vector<16xf32>
      %mul3A_1271 = arith.constant 16 : i32
      %mul3A_1272 = arith.muli %scan3A_66, %mul3A_1271 : i32
      %swap3A = arith.index_cast %mul3A_1272 : i32 to index
      %swap3A_1273 = tpu.vector_load %arg17[%swap3A] {strides = array<i32>} : memref<512xf32, #tpu.memory_space<vmem>>, vector<16xf32>,
      %swap3A_1274 = vector.shape_cast %swap3A_1273 : vector<16xf32> to vector<16xf32>
      %swap3A_1275 = vector.shape_cast %select_n3A_1270 : vector<16xf32> to vector<16xf32>
      tpu.vector_store %arg17[%swap3A], %swap3A_1275 {strides = array<i32>} : memref<512xf32, #tpu.memory_space<vmem>>, vector<16xf32>,
      %scan3A_1276 = arith.constant 0 : i32
      scf.yield %scan3A_1276 : i32
    }
    %scan3A_60 = arith.constant 32 : i32
    %mul3A_61 = arith.constant 2048 : i32
    %mul3A_62 = arith.muli %select_n3A, %mul3A_61 : i32
    %add3A_63 = arith.addi %mul3A_62, %mul3A_32 : i32
    "tpu.region"() ({
      %run_scoped3A = tpu.sem_alloc : memref<!tpu.dma_semaphore, #tpu.memory_space<semaphore_mem>>
      %dma_start3A = tpu.memref_slice %arg8[%add3A_63] : memref<16384xf32, #tpu.memory_space<hbm>> -> memref<512xf32, #tpu.memory_space<hbm>>
      %dma_start3A_66 = tpu.memref_slice %arg8[%add3A_63] : memref<16384xf32, #tpu.memory_space<hbm>> -> memref<512xf32, #tpu.memory_space<hbm>>
      tpu.enqueue_dma source(%arg17 : memref<512xf32, #tpu.memory_space<vmem>>) target(%dma_start3A_66 : memref<512xf32, #tpu.memory_space<hbm>>) target_semaphore(%run_scoped3A : memref<!tpu.dma_semaphore, #tpu.memory_space<semaphore_mem>>)
      %dma_wait3A = tpu.memref_slice %arg8[%add3A_63] : memref<16384xf32, #tpu.memory_space<hbm>> -> memref<512xf32, #tpu.memory_space<hbm>>
      %dma_wait3A_67 = tpu.memref_slice %arg8[%add3A_63] : memref<16384xf32, #tpu.memory_space<hbm>> -> memref<512xf32, #tpu.memory_space<hbm>>
      tpu.wait_dma2 semaphore(%run_scoped3A : memref<!tpu.dma_semaphore, #tpu.memory_space<semaphore_mem>>) src(%arg17 : memref<512xf32, #tpu.memory_space<vmem>>) dst(%dma_wait3A_67 : memref<512xf32, #tpu.memory_space<hbm>>)
      tpu.yield
    }) : () -> ()
    %mul3A_64 = arith.constant 2048 : i32
    %mul3A_65 = arith.muli %add3A, %mul3A_64 : i32
    "tpu.region"() ({
      %run_scoped3A = tpu.sem_alloc : memref<!tpu.dma_semaphore, #tpu.memory_space<semaphore_mem>>
      %dma_start3A = tpu.memref_slice %arg9[%mul3A_65] : memref<65536xf32, #tpu.memory_space<hbm>> -> memref<2048xf32, #tpu.memory_space<hbm>>
      %dma_start3A_66 = tpu.memref_slice %arg9[%mul3A_65] : memref<65536xf32, #tpu.memory_space<hbm>> -> memref<2048xf32, #tpu.memory_space<hbm>>
      tpu.enqueue_dma source(%arg16 : memref<2048xf32, #tpu.memory_space<vmem>>) target(%dma_start3A_66 : memref<2048xf32, #tpu.memory_space<hbm>>) target_semaphore(%run_scoped3A : memref<!tpu.dma_semaphore, #tpu.memory_space<semaphore_mem>>)
      %dma_wait3A = tpu.memref_slice %arg9[%mul3A_65] : memref<65536xf32, #tpu.memory_space<hbm>> -> memref<2048xf32, #tpu.memory_space<hbm>>
      %dma_wait3A_67 = tpu.memref_slice %arg9[%mul3A_65] : memref<65536xf32, #tpu.memory_space<hbm>> -> memref<2048xf32, #tpu.memory_space<hbm>>
      tpu.wait_dma2 semaphore(%run_scoped3A : memref<!tpu.dma_semaphore, #tpu.memory_space<semaphore_mem>>) src(%arg16 : memref<2048xf32, #tpu.memory_space<vmem>>) dst(%dma_wait3A_67 : memref<2048xf32, #tpu.memory_space<hbm>>)
      tpu.yield
    }) : () -> ()
    return
  }
}

</mosaic_0001>

<sc_bundles>
// kernel: kernel.3.cloned.1.call-start
scs
__scs_entry_jumppad:
0x0: {  	(pc) =	sbr.rel $0x88, $3  }
0x1: {  	(tag) =	ssettag $0x0;
	lr =	simm.s32 $0x1  }
0x2: {  	[smem:$0x3F9F] =	sst lr;
	_ =	strace $0xD0000000  }
0x3: {  	_ = 	snop  }
0x4: {  	_ = 	snop  }
0x5: {  	_ = 	snop  }
0x6: {  	_ = 	snop  }
0x7: {  	_ = 	snop  }
__scs_overlays_trampoline_lowered:
0x8: {  	[smem:$0x3FAE] =	sst s0  }
0x9: {  	[smem:$0x3FAF] =	sst s1  }
0xa: {  	[smem:$0x3FB0] =	sst s2  }
0xb: {  	[smem:$0x3FB1] =	sst s3  }
0xc: {  	[smem:$0x3FB2] =	sst s4  }
0xd: {  	[smem:$0x3FB3] =	sst s5  }
0xe: {  	[smem:$0x3FB4] =	sst s6  }
0xf: {  	[smem:$0x3FB5] =	sst s7  }
0x10: {  	[smem:$0x3FB6] =	sst s8  }
0x11: {  	[smem:$0x3FB7] =	sst s9;
	s0 =	simm.s32 @!p0 $0x0  }
0x12: {  	s1 =	sld [smem:$0x3F9D];
	s0 =	simm.s32 @p0 $0x1  }
0x13: {  	[smem:$0x3FB8] =	sst s0;
	s0 =	simm.s32 @!p1 $0x0  }
0x14: {  	s2 =	sld [smem:$0x3F9C];
	s0 =	simm.s32 @p1 $0x1  }
0x15: {  	[smem:$0x3FB9] =	sst s0;
	s0 =	simm.s32 @!p2 $0x0  }
0x16: {  	s3 =	sld [smem:$0x3FDB];
	s0 =	simm.s32 @p2 $0x1  }
0x17: {  	s4 =	simm.s32 $0x1BF5;
	[smem:$0x3FBB] =	sst s0  }
0x18: {  	s0 =	sld [smem:$0x3F9E];
	_ =	swait.ge [sflag:s4], $0x0  }
0x19: {  	s7 =	sld [smem:$0x3F9F]  }
0x1a: {  	s8 =	sadd.s32 $0xFFFFE003, lr  }
0x1b: {  	s9 =	sadd.s32 $0xFFFFFEF7, lr;
	s5 =	simm.s32 $0xFFFFFFFF;
	p2 =	slt.u32 s8, $0xFFFFF086  }
0x1c: {  	p1 =	slt.u32 s9, $0xF7A;
	s5 =	simm.s32 @!p2 $0x0  }
0x1d: {  	s5 =	simm.s32 @p1 $0x1;
	p0 =	seq.s32 s7, s2  }
0x1e: {  	s7 =	smul.u32 @!p0 $0xF7A, s2;
	p2 =	seq.s32 @!p0 s5, $0x0  }
0x1f: {  	s9 =	smul.u32 $0xF7A, s1;
	s8 =	simm.s32 @!p0 $0x1BF5;
	p2 =	por !p2, p0  }
0x20: {  	[sflag:s8] =	ssyncset.s32 @!p0 $0xFFFFF086;
	s6 =	sadd.s32 @!p0 s3, s7;
	s7 =	simm.s32 @!p0 $0x108  }
0x21: {  	s3 =	sadd.s32 s3, s9;
	s6 =	sadd.s32 @!p0 $0x88, s6;
	s7 =	simm.s32 @p2 $0x1082  }
0x22: {  	[simem:s7], [sflag:s8] =	dma.local @!p0 [hbm:s6], $0xF7A  }
0x23: {  	s9 =	sor.u32 $0xD0000000, s2;
	s6 =	simm.s32 $0x108;
	_ =	swait.ge @!p0 [sflag:s8], $0x0  }
0x24: {  	s3 =	sadd.s32 $0x88, s3;
	s6 =	simm.s32 @!p1 $0x1082;
	[sflag:s4] =	ssyncset.s32 $0xFFFFF086  }
0x25: {  	[simem:s6], [sflag:s4] =	dma.local [hbm:s3], $0xF7A  }
0x26: {  	[smem:$0x3F9F] =	sst s1;
	(tag) =	ssettag s2;
	_ =	strace s9  }
0x27: {  	s1 =	sld [smem:$0x3FAF]  }
0x28: {  	s2 =	sld [smem:$0x3FB0]  }
0x29: {  	s4 =	sld [smem:$0x3FB2]  }
0x2a: {  	p0 =	seq.s32 s5, $0x0;
	s5 =	sld [smem:$0x3FB3]  }
0x2b: {  	s6 =	sld [smem:$0x3FB4]  }
0x2c: {  	s7 =	sld [smem:$0x3FB5]  }
0x2d: {  	s3 =	simm.s32 $0x108;
	s8 =	sld [smem:$0x3FB6]  }
0x2e: {  	s3 =	simm.s32 @!p0 $0x1082;
	s9 =	sld [smem:$0x3FB7]  }
0x2f: {  	lr =	sadd.s32 s0, s3;
	s0 =	sld [smem:$0x3FAE]  }
0x30: {  	s3 =	sld [smem:$0x3FB1]  }
0x31: {  	[smem:$0x3FBA] =	sst s10  }
0x32: {  	s10 =	sld [smem:$0x3FB8];
	_ =	sdelay $0x3  }
0x33: {  	p0 =	seq.s32 s10, $0x1;
	s10 =	sld [smem:$0x3FBA];
	_ =	sdelay $0x3  }
0x34: {  	[smem:$0x3FBA] =	sst s10  }
0x35: {  	s10 =	sld [smem:$0x3FB9];
	_ =	sdelay $0x3  }
0x36: {  	p1 =	seq.s32 s10, $0x1;
	s10 =	sld [smem:$0x3FBA];
	_ =	sdelay $0x3  }
0x37: {  	[smem:$0x3FBA] =	sst s10  }
0x38: {  	s10 =	sld [smem:$0x3FBB]  }
0x39: {  	_ = 	snop;
	(pc) =	sbr.ind lr, $3  }
0x3a: {  	_ = 	snop  }
0x3b: {  	_ = 	snop  }
0x3c: {  	p2 =	seq.s32 s10, $0x1;
	s10 =	sld [smem:$0x3FBA]  }
0x3d: {  	_ =	shalt  }
0x3e: {  	_ =	shalt  }
0x3f: {  	_ =	shalt  }
0x40: {  	_ =	shalt  }
0x41: {  	_ =	shalt  }
0x42: {  	_ =	shalt  }
0x43: {  	_ =	shalt  }
0x44: {  	_ =	shalt  }
0x45: {  	_ =	shalt  }
0x46: {  	_ =	shalt  }
0x47: {  	_ =	shalt  }
0x48: {  	_ =	shalt  }
0x49: {  	_ =	shalt  }
0x4a: {  	_ =	shalt  }
0x4b: {  	_ =	shalt  }
0x4c: {  	_ =	shalt  }
0x4d: {  	_ =	shalt  }
0x4e: {  	_ =	shalt  }
0x4f: {  	_ =	shalt  }
0x50: {  	_ =	shalt  }
0x51: {  	_ =	shalt  }
0x52: {  	_ =	shalt  }
0x53: {  	_ =	shalt  }
0x54: {  	_ =	shalt  }
0x55: {  	_ =	shalt  }
0x56: {  	_ =	shalt  }
0x57: {  	_ =	shalt  }
0x58: {  	_ =	shalt  }
0x59: {  	_ =	shalt  }
0x5a: {  	_ =	shalt  }
0x5b: {  	_ =	shalt  }
0x5c: {  	_ =	shalt  }
0x5d: {  	_ =	shalt  }
0x5e: {  	_ =	shalt  }
0x5f: {  	_ =	shalt  }
0x60: {  	_ =	shalt  }
0x61: {  	_ =	shalt  }
0x62: {  	_ =	shalt  }
0x63: {  	_ =	shalt  }
0x64: {  	_ =	shalt  }
0x65: {  	_ =	shalt  }
0x66: {  	_ =	shalt  }
0x67: {  	_ =	shalt  }
0x68: {  	_ =	shalt  }
0x69: {  	_ =	shalt  }
0x6a: {  	_ =	shalt  }
0x6b: {  	_ =	shalt  }
0x6c: {  	_ =	shalt  }
0x6d: {  	_ =	shalt  }
0x6e: {  	_ =	shalt  }
0x6f: {  	_ =	shalt  }
0x70: {  	_ =	shalt  }
0x71: {  	_ =	shalt  }
0x72: {  	_ =	shalt  }
0x73: {  	_ =	shalt  }
0x74: {  	_ =	shalt  }
0x75: {  	_ =	shalt  }
0x76: {  	_ =	shalt  }
0x77: {  	_ =	shalt  }
0x78: {  	_ =	shalt  }
0x79: {  	_ =	shalt  }
0x7a: {  	_ =	shalt  }
0x7b: {  	_ =	shalt  }
0x7c: {  	_ =	shalt  }
0x7d: {  	_ =	shalt  }
0x7e: {  	_ =	shalt  }
0x7f: {  	_ =	shalt  }
0x80: {  	_ =	shalt  }
0x81: {  	_ =	shalt  }
0x82: {  	_ =	shalt  }
0x83: {  	_ =	shalt  }
0x84: {  	_ =	shalt  }
0x85: {  	_ =	shalt  }
0x86: {  	_ =	shalt  }
0x87: {  	_ =	shalt  }
.Lfunc_end0:
.L_simem_size_0:
called_computation_lowered:
.L_overlay_start_0:
0x88: {  	s2 =	sld [smem:$0x3FD9]  }
0x89: {  	s3 =	sld [smem:$0x3FFE];
	_ =	sdelay $0x1  }
0x8a: {  	s1 =	srdreg.scid  }
0x8b: {  	s0 =	sand.u32 $0x1, s1  }
0x8c: {  	s16 =	sshll.u32 s0, $0xA;
	s2 =	sadd.s32 s3, s2  }
0x8d: {  	s2 =	sadd.s32 s2, s16  }
0x8e: {  	[smem:$0x3FC6] =	sst s2  }
0x8f: {  	_ = 	snop  }
0x90: {  	(tm) =	ssettm $0x1  }
0x91: {  	s17 =	sld [smem:$0x3FFB];
	_ =	sdelay $0x3  }
0x92: {  	_ =	strace s17  }
0x93: {  	s2 =	sld [smem:$0x3FFC];
	_ =	sdelay $0x3  }
0x94: {  	_ =	strace s2  }
0x95: {  	s2 =	sld [smem:$0x3FFD];
	_ =	sdelay $0x3  }
0x96: {  	_ =	strace s2  }
0x97: {  	_ =	strace $0x8FFFFFFF  }
0x98: {  	s18 =	sld [smem:$0x3FDB];
	_ =	sdelay $0x1  }
0x99: {  	s19 =	simm.s32 $_scs_section_size  }
0x9a: {  	s4 =	simm.s32 $_size__tile_overlayer_lowered;
	s5 =	simm.s32 $_tile_overlayer_lowered  }
0x9b: {  	s22 =	simm.s32 $0x1BFF;
	s21 =	sshll.u32 s5, $0x1;
	s2 =	sadd.s32 s19, s18  }
0x9c: {  	s6 =	simm.s32 $0x0;
	s20 =	sshll.u32 s4, $0x1;
	s4 =	sadd.s32 s21, s2  }
0x9d: {  	[timem:s6], [sflag:s22] =	dma.local [hbm:s4], s20  }
0x9e: {  	_ =	swait.ge [sflag:s22], s20  }
0x9f: {  	s3 =	ssub.s32 $0x0, s20;
	[sflag:s22] =	ssyncset.done $0x0  }
0xa0: {  	[sflag:s22] =	ssyncadd.s32 s3;
	_ =	sdelay $0x1  }
0xa1: {  	s23 =	simm.s32 $0x1B8B  }
0xa2: {  	_ =	swait.ge [sflag:s23], $0x1  }
0xa3: {  	[sflag:s23] =	ssyncset.done $0x0  }
0xa4: {  	s25 =	simm.s32 $0x1B8E;
	s24 =	sld [smem:$0x3FFE];
	[sflag:s23] =	ssyncadd.s32 $0xFFFFFFFF  }
0xa5: {  	s26 =	simm.s32 $execute0_lowered;
	[smem:$0x3FD2] =	sst s25  }
0xa6: {  	s4 =	sshll.u32 s26, $0x1;
	_ =	strace $0x80000046;
	[dreg:$0x1] =	wrdreg $0xFFFFFFFF  }
0xa7: {  	s28 =	simm.s32 $_size_execute0_lowered;
	s2 =	sadd.s32 s2, s4;
	[dreg:$0x0] =	wrdreg $0x0  }
0xa8: {  	s4 =	sshll.u32 s28, $0x1;
	[dreg:$0x2] =	wrdreg s2  }
0xa9: {  	[dreg:$0x3] =	wrdreg s4  }
0xaa: {  	[dreg:$0x4] =	wrdreg $0xC0  }
0xab: {  	_ =	task [dreg:s6], $0x5FFFF  }
0xac: {  	[dreg:$0x1] =	wrdreg $0xFFFFFFFF  }
0xad: {  	[dreg:$0x0] =	wrdreg $0x60  }
0xae: {  	[dreg:$0x2] =	wrdreg s24  }
0xaf: {  	[dreg:$0x3] =	wrdreg $0x9  }
0xb0: {  	_ =	task.clear_ibuf [dreg:s6], $0x4FFFF;
	_ =	strace $0x90000046  }
0xb1: {  	s29 =	simm.s32 $0x9;
	_ =	strace $0x80000048  }
0xb2: {  	_ =	swait.ge [sflag:s29], $0x1  }
0xb3: {  	[sflag:s29] =	ssyncadd.s32 $0xFFFFFFFF  }
0xb4: {  	_ =	strace $0x90000048  }
0xb5: {  	_ =	sfence  }
0xb6: {  	s30 =	sld [smem:$0x0];
	_ =	sdelay $0x2  }
0xb7: {  	s31 =	sshll.u32 s1, $0xD;
	s1 =	sshrl.u32 s1, $0x2  }
0xb8: {  	s3 =	sand.u32 $0x4000, s31;
	s1 =	sadd.s32 s1, s30  }
0xb9: {  	s0 =	sor.u32 s3, s0;
	s1 =	sshll.u32 s1, $0x11  }
0xba: {  	s0 =	sor.u32 s1, s0  }
0xbb: {  	s0 =	sadd.s32 $0x8F2B, s0  }
0xbc: {  	[sflag:s0] =	ssyncadd.remote.s32 $0x1  }
0xbd: {  	_ =	sfence.sel $0xFFFF  }
0xbe: {  	[dreg:$0x0] =	wrdreg $0xFFFFFFFF;
	(pc) =	sbr.abs _section_cstart, $3  }
0xbf: {  	[dreg:$0x1] =	wrdreg $0xFFFFFFFF  }
0xc0: {  	_ =	task.clear_ibuf [dreg:s6], $0x2FFFF;
	_ =	strace $0x9FFFFFFF  }
0xc1: {  	(tm) =	ssettm $0x7FFFFFFF  }
tec
execute0_lowered:
.L_overlay_start_1:
0x0: {  	(tag) =	ssettag $0x1  }
0x1: {  	s0 =	srdreg.scid;
	s6 =	rddreg [dreg:$0x0];
	s7 =	simm.s32 $0x1  }
0x2: {  	v0 =	vimm.s32 $0x76543210;
	v1 =	vimm.s32 $0xFEDCBA98;
	s2 =	simm.s32 $0x0;
	s13 =	simm.s32 $0x200;
	s14 =	simm.s32 $0x400  }
0x3: {  	v2 =	vimm.s32 $0x3210FEDC;
	v3 =	vimm.s32 $0xBA987654;
	s15 =	simm.s32 $0x600;
	s16 =	simm.s32 $0xE00;
	s4 =	sand.u32 $0x1, s0  }
0x4: {  	v4 =	vimm.s32 $0x10FEDCBA;
	v5 =	vimm.s32 $0x98765432;
	s17 =	simm.s32 $0x1600;
	s0 =	stileid.u32;
	s1 =	sshll.u32 s4, $0x4  }
0x5: {  	v6 =	vimm.s32 $0xFEDCBA9;
	v7 =	vimm.s32 $0x87654321;
	s18 =	simm.s32 $0x2600;
	v0 =	vunpack.c.l.s4.s8 v0;
	s3 =	sand.u32 $0x3, s0;
	s5 =	sor.u32 s0, s1  }
0x6: {  	s19 =	simm.s32 $0x1E00;
	v1 =	vunpack.c.l.s4.s8 v1;
	v2 =	vunpack.c.l.s4.s8 v2;
	v3 =	vunpack.c.l.s4.s8 v3;
	p1 =	sne.s32 s3, $0x0;
	p0 =	seq.s32 s5, $0x0  }
0x7: {  	s20 =	simm.s32 $0x0;
	[smem:$0x7FF] =	sst s2;
	v4 =	vunpack.c.l.s4.s8 v4;
	v5 =	vunpack.c.l.s4.s8 v5;
	v6 =	vunpack.c.l.s4.s8 v6;
	p0 =	por !p1, !p0  }
0x8: {  	v7 =	vunpack.c.l.s4.s8 v7;
	s10 =	ssub.s32 $0x2, s4;
	s1 =	rddreg [dreg:$0x1];
	v2 =	vunpack.c.0.s8.s32 v2;
	v1 =	vunpack.c.0.s8.s32 v1;
	p0 =	por !p0, !p0  }
0x9: {  	_ =	strace $0x80000047;
	v3 =	vunpack.c.0.s8.s32 v3;
	v4 =	vunpack.c.0.s8.s32 v4;
	v0 =	vunpack.c.0.s8.s32 v0;
	s8 =	sshrl.u32 s5, $0x2;
	s7 =	simm.s32 @!p0 $0x0  }
0xa: {  	s31 =	sshll.u32 s3, $0x9;
	s3 =	simm.s32 $0x1;
	v5 =	vunpack.c.0.s8.s32 v5;
	v6 =	vunpack.c.0.s8.s32 v6;
	v1 =	vand.u32 $0xF, v1;
	s7 =	ssub.s32 s8, s7  }
0xb: {  	s12 =	sshrl.u32 s10, $0x1;
	v7 =	vunpack.c.0.s8.s32 v7;
	s5 =	sshll.u32 s5, $0x8;
	v2 =	vcombine.low v3, v2;
	v0 =	vcombine.low v1, v0;
	s7 =	sshll.u32 s7, $0xB  }
0xc: {  	s12 =	ssub.s32 s10, s12;
	v3 =	vcombine.low v5, v4;
	s9 =	sshrl.u32 s7, $0x3;
	s7 =	sor.u32 s31, s7  }
0xd: {  	s11 =	sadd.s32 s5, s6;
	v4 =	vcombine.low v7, v6;
	s12 =	smax.u32 s12, $0x1;
	v61 =	vand.u32 $0xF, v2;
	[tilespmem:$0x1FFC0] =	vst v0;
	s7 =	sshrl.u32 s7, $0x3  }
0xe: {  	v5 =	vimm.f32 $3.000000010e+38;
	s11 =	sadd.s32 $0x3000, s11;
	v62 =	vand.u32 $0xF, v3;
	[tilespmem:$0x1FFD0] =	vst v61;
	s9 =	sadd.s32 s9, s6;
	s4 =	sadd.s32 s6, s7  }
0xf: {  	vm0 =	vmmov $0x1;
	vm1 =	vmmov $0x3;
	v63 =	vand.u32 $0xF, v4;
	[tilespmem:$0x1FFE0] =	vst v62;
	s7 =	sadd.s32 $0x2800, s9;
	s8 =	sadd.s32 $0x2000, s9;
	s9 =	sadd.s32 $0x1800, s9  }
0x10: {  	vm2 =	vmmov $0x7;
	vm3 =	vmmov $0xf;
	vm4 =	vmmov $0x1f;
	[tilespmem:$0x1FFF0] =	vst v63;
	s5 =	sadd.s32 $0x1000, s4;
	s6 =	sadd.s32 $0x800, s4;
	s10 =	sadd.s32 $0x5000, s4  }
.LBB2_1:
0x11: {  	[tilespmem:s2], [sflag:$0x1] =	stream.linear.gather [hbm4b:s5+s2], $0x200, $0x38;
	[tilespmem:$0x2800] =	vst v63  }
0x12: {  	_ =	swait.ge [sflag:s3], $0x200  }
0x13: {  	[sflag:s3] =	ssyncset.done $0x0  }
0x14: {  	[sflag:s3] =	ssyncadd.s32 $0xFFFFFE00  }
0x15: {  	[tilespmem:s13], [sflag:$0x1] =	stream.linear.gather [hbm4b:s6+s2], $0x200, $0x38;
	[tilespmem:$0x2800] =	vst v63  }
0x16: {  	_ =	swait.ge [sflag:s3], $0x200  }
0x17: {  	[sflag:s3] =	ssyncset.done $0x0  }
0x18: {  	[sflag:s3] =	ssyncadd.s32 $0xFFFFFE00  }
0x19: {  	[tilespmem:s14], [sflag:$0x1] =	stream.linear.gather [hbm4b:s4+s2], $0x200, $0x38;
	[tilespmem:$0x2800] =	vst v63  }
0x1a: {  	_ =	swait.ge [sflag:s3], $0x200  }
0x1b: {  	[sflag:s3] =	ssyncset.done $0x0  }
0x1c: {  	[sflag:s3] =	ssyncadd.s32 $0xFFFFFE00  }
0x1d: {  	[tilespmem:s15], [sflag:$0x1] =	stream.linear.gather [hbm4b:s7+s2], $0x800, $0x38;
	[tilespmem:$0x2800] =	vst v63  }
0x1e: {  	_ =	swait.ge [sflag:s3], $0x800  }
0x1f: {  	[sflag:s3] =	ssyncset.done $0x0  }
0x20: {  	[sflag:s3] =	ssyncadd.s32 $0xFFFFF800  }
0x21: {  	[tilespmem:s16], [sflag:$0x1] =	stream.linear.gather [hbm4b:s8+s2], $0x800, $0x38;
	[tilespmem:$0x2800] =	vst v63  }
0x22: {  	_ =	swait.ge [sflag:s3], $0x800  }
0x23: {  	[sflag:s3] =	ssyncset.done $0x0  }
0x24: {  	[sflag:s3] =	ssyncadd.s32 $0xFFFFF800  }
0x25: {  	[tilespmem:s17], [sflag:$0x1] =	stream.linear.gather [hbm4b:s9+s2], $0x800, $0x38;
	[tilespmem:$0x2800] =	vst v63  }
0x26: {  	_ =	swait.ge [sflag:s3], $0x800  }
0x27: {  	[sflag:s3] =	ssyncset.done $0x0  }
0x28: {  	s21 =	simm.s32 $0x40;
	s22 =	simm.s32 $0x0;
	[sflag:s3] =	ssyncadd.s32 $0xFFFFF800  }
.LBB2_2:
0x29: {  	p0 =	sne.s32 s21, $0x1FC0;
	[tilespmem:s22+$0x1E00] =	vst v5;
	s22 =	smov.u32 s21;
	s21 =	sadd.s32 $0x40, s21  }
.Ltmp0:
0x2a: {  	(pc) =	sbr.rel @p0 .LBB2_2-.Ltmp0, $2  }
0x2b: {  	_ =	sdelay $0x2  }
0x2c: {  	s22 =	sshra.s32 s22, $0x2  }
0x2d: {  	[tilespmem:s22+$0x1E00] =	vst v5;
	s21 =	simm.s32 $0x0  }
.LBB2_4:
0x2e: {  	s22 =	sshll.u32 s21, $0x4  }
0x2f: {  	v2 =	vld [tilespmem:s22+$0x0]  }
0x30: {  	v4 =	vld [tilespmem:s22+$0x200]  }
0x31: {  	v0 =	vld [tilespmem:s22+$0x400];
	_ =	sdelay $0x3  }
0x32: {  	v1 =	vbroadcast v2, $0x0;
	v50 =	vbroadcast v4, $0x0  }
0x33: {  	v51 =	vbroadcast v0, $0x0;
	v52 =	vbroadcast v2, $0x1  }
0x34: {  	v53 =	vbroadcast v4, $0x1;
	v3 =	vbroadcast v0, $0x1  }
0x35: {  	v54 =	vbroadcast v2, $0x2;
	v55 =	vbroadcast v4, $0x2  }
0x36: {  	v6 =	vbroadcast v0, $0x2;
	v56 =	vbroadcast v2, $0x3  }
0x37: {  	v57 =	vbroadcast v4, $0x3;
	v58 =	vbroadcast v0, $0x3  }
0x38: {  	v34 =	vbroadcast v2, $0x4;
	v39 =	vbroadcast v4, $0x4;
	[tilespmem:$0x1FCA0] =	vst v1  }
0x39: {  	v31 =	vbroadcast v0, $0x4;
	v41 =	vbroadcast v2, $0x5;
	[tilespmem:$0x1FCB0] =	vst v50  }
0x3a: {  	v42 =	vbroadcast v4, $0x5;
	v36 =	vbroadcast v0, $0x5;
	[tilespmem:$0x1FCC0] =	vst v51  }
0x3b: {  	v43 =	vbroadcast v2, $0x6;
	v44 =	vbroadcast v4, $0x6;
	[tilespmem:$0x1FCD0] =	vst v52  }
0x3c: {  	v28 =	vbroadcast v0, $0x6;
	v37 =	vbroadcast v2, $0x7;
	[tilespmem:$0x1FCE0] =	vst v53  }
0x3d: {  	v27 =	vbroadcast v0, $0x7;
	v35 =	vbroadcast v2, $0x8;
	[tilespmem:$0x1FCF0] =	vst v54  }
0x3e: {  	v26 =	vbroadcast v0, $0x8;
	v23 =	vbroadcast v0, $0x9;
	[tilespmem:$0x1FD00] =	vst v55  }
0x3f: {  	v18 =	vbroadcast v0, $0xA;
	v5 =	vbroadcast v0, $0xF;
	[tilespmem:$0x1FD10] =	vst v56  }
0x40: {  	v14 =	vbroadcast v0, $0xB;
	v7 =	vbroadcast v0, $0xD;
	[tilespmem:$0x1FD20] =	vst v57  }
0x41: {  	v11 =	vbroadcast v0, $0xC;
	v0 =	vbroadcast v0, $0xE;
	[tilespmem:$0x1FD30] =	vst v5  }
0x42: {  	v32 =	vbroadcast v2, $0x9;
	v9 =	vbroadcast v2, $0xF;
	[tilespmem:$0x1FD40] =	vst v7  }
0x43: {  	v29 =	vbroadcast v2, $0xA;
	v10 =	vbroadcast v4, $0xF;
	[tilespmem:$0x1FD50] =	vst v0  }
0x44: {  	v24 =	vbroadcast v2, $0xB;
	v20 =	vbroadcast v2, $0xC;
	[tilespmem:$0x1FD60] =	vst v9  }
0x45: {  	s23 =	simm.s32 $0x0;
	v16 =	vbroadcast v2, $0xD;
	v2 =	vbroadcast v2, $0xE;
	[tilespmem:$0x1FD70] =	vst v10  }
0x46: {  	v19 =	vld [tilespmem:s23+$0x1600];
	v38 =	vbroadcast v4, $0x7;
	v45 =	vbroadcast v4, $0x8;
	[tilespmem:$0x1FD80] =	vst v11  }
0x47: {  	v17 =	vld [tilespmem:s23+$0x600];
	v33 =	vbroadcast v4, $0x9;
	v59 =	vbroadcast v4, $0xE;
	[tilespmem:$0x1FD90] =	vst v2  }
0x48: {  	v13 =	vld [tilespmem:s23+$0xE00];
	v40 =	vbroadcast v4, $0xA;
	v25 =	vbroadcast v4, $0xB;
	[tilespmem:$0x1FDA0] =	vst v14  }
0x49: {  	v22 =	vbroadcast v4, $0xC;
	v4 =	vbroadcast v4, $0xD;
	[tilespmem:$0x1FDB0] =	vst v59  }
0x4a: {  	[tilespmem:$0x1FDD0] =	vst v16  }
0x4b: {  	v5 =	vsub.f32 v19, v5;
	[tilespmem:$0x1FDF0] =	vst v4  }
0x4c: {  	v8 =	vsub.f32 v19, v7;
	v7 =	vsub.f32 v19, v0;
	[tilespmem:$0x1FE00] =	vst v18  }
0x4d: {  	v9 =	vsub.f32 v17, v9;
	v10 =	vsub.f32 v13, v10;
	[tilespmem:$0x1FE10] =	vst v20  }
0x4e: {  	v11 =	vsub.f32 v19, v11;
	v12 =	vsub.f32 v17, v2;
	[tilespmem:$0x1FE20] =	vst v22  }
0x4f: {  	v15 =	vsub.f32 v19, v14;
	v14 =	vsub.f32 v13, v59;
	[tilespmem:$0x1FE30] =	vst v23  }
0x50: {  	v16 =	vsub.f32 v17, v16;
	v18 =	vsub.f32 v19, v18;
	[tilespmem:$0x1FE40] =	vst v24  }
0x51: {  	v21 =	vsub.f32 v17, v20;
	v22 =	vsub.f32 v13, v22;
	[tilespmem:$0x1FE50] =	vst v25  }
0x52: {  	v24 =	vsub.f32 v17, v24;
	v25 =	vsub.f32 v13, v25;
	[tilespmem:$0x1FE60] =	vst v26  }
0x53: {  	v30 =	vsub.f32 v19, v27;
	v62 =	vsub.f32 v13, v33;
	[tilespmem:$0x1FED0] =	vst v35  }
0x54: {  	v63 =	vsub.f32 v19, v28;
	v35 =	vsub.f32 v17, v35;
	[tilespmem:$0x1FF00] =	vst v37  }
0x55: {  	v37 =	vsub.f32 v17, v37;
	[tilespmem:$0x1FF10] =	vst v38;
	v38 =	vsub.f32 v13, v38  }
0x56: {  	[tilespmem:$0x1FF30] =	vst v43;
	v43 =	vsub.f32 v17, v43;
	v47 =	vsub.f32 v13, v44  }
0x57: {  	[tilespmem:$0x1FE70] =	vst v29;
	v49 =	vsub.f32 v19, v58;
	v53 =	vsub.f32 v17, v41  }
0x58: {  	v48 =	vimm.f32 $3.000000010e+38;
	[tilespmem:$0x1FF60] =	vst v41;
	v41 =	vsub.f32 v13, v42;
	v59 =	vsub.f32 v19, v6  }
0x59: {  	v46 =	vimm.f32 $3.000000010e+38;
	[tilespmem:$0x1FF50] =	vst v58;
	v58 =	vsub.f32 v17, v34;
	v52 =	vsub.f32 v13, v39  }
0x5a: {  	[tilespmem:$0x1FE80] =	vst v27;
	v56 =	vimm.f32 $3.000000010e+38;
	v57 =	vimm.f32 $3.000000010e+38;
	v54 =	vimm.f32 $3.000000010e+38  }
0x5b: {  	[tilespmem:$0x1FE90] =	vst v40;
	v55 =	vimm.f32 $3.000000010e+38;
	v60 =	vmul.f32 v7, v7;
	v61 =	vmul.f32 v5, v5  }
0x5c: {  	[tilespmem:$0x1FEA0] =	vst v32;
	v51 =	vimm.f32 $3.000000010e+38;
	v8 =	vmul.f32 v8, v8;
	v9 =	vmul.f32 v9, v9  }
0x5d: {  	[tilespmem:$0x1FEB0] =	vst v33;
	v50 =	vimm.f32 $3.000000010e+38;
	v11 =	vmul.f32 v11, v11;
	v10 =	vmul.f32 v10, v10  }
0x5e: {  	[tilespmem:$0x1FF40] =	vst v44;
	v44 =	vimm.f32 $3.000000010e+38;
	v12 =	vmul.f32 v12, v12;
	v14 =	vmul.f32 v14, v14  }
0x5f: {  	[tilespmem:$0x1FF70] =	vst v42;
	v42 =	vimm.f32 $3.000000010e+38;
	v15 =	vmul.f32 v15, v15;
	v16 =	vmul.f32 v16, v16  }
0x60: {  	[tilespmem:$0x1FEC0] =	vst v28;
	v5 =	vsub.f32 v13, v4;
	v20 =	vmul.f32 v18, v18;
	v21 =	vmul.f32 v21, v21  }
0x61: {  	[tilespmem:$0x1FFA0] =	vst v39;
	v39 =	vimm.f32 $3.000000010e+38;
	v22 =	vmul.f32 v22, v22;
	v24 =	vmul.f32 v24, v24  }
0x62: {  	[tilespmem:$0x1FEE0] =	vst v36;
	v25 =	vmul.f32 v25, v25;
	v18 =	vmul.f32 v5, v5;
	v5 =	vsub.f32 v19, v23  }
0x63: {  	[tilespmem:$0x1FF90] =	vst v34;
	v34 =	vimm.f32 $3.000000010e+38;
	v30 =	vmul.f32 v30, v30;
	v33 =	vmul.f32 v63, v63  }
0x64: {  	[tilespmem:$0x1FEF0] =	vst v45;
	v23 =	vmul.f32 v5, v5;
	v5 =	vsub.f32 v19, v26;
	v26 =	vsub.f32 v17, v29  }
0x65: {  	[tilespmem:$0x1FDC0] =	vst v60;
	v60 =	vimm.f32 $3.000000010e+38;
	v29 =	vsub.f32 v13, v40;
	v40 =	vsub.f32 v19, v36  }
0x66: {  	[tilespmem:$0x1FDE0] =	vst v61;
	v61 =	vimm.f32 $3.000000010e+38;
	v36 =	vsub.f32 v13, v45;
	v45 =	vsub.f32 v19, v31  }
0x67: {  	[tilespmem:$0x1FF20] =	vst v31;
	v27 =	vmul.f32 v5, v5;
	v5 =	vsub.f32 v17, v32;
	v28 =	vmul.f32 v26, v26  }
0x68: {  	[tilespmem:$0x1FF80] =	vst v6;
	v29 =	vmul.f32 v29, v29;
	v32 =	vmul.f32 v62, v62;
	v62 =	vsub.f32 v19, v3  }
0x69: {  	s24 =	simm.s32 $0x40;
	[tilespmem:$0x1FFB0] =	vst v3;
	v26 =	vimm.f32 $3.000000010e+38;
	v31 =	vmul.f32 v5, v5;
	v5 =	vimm.f32 $3.000000010e+38  }
.LBB2_5:
0x6a: {  	v0 =	vld [tilespmem:$0x1FD10];
	_ =	sdelay $0x4  }
0x6b: {  	v63 =	vsub.f32 v17, v0;
	v0 =	vld [tilespmem:$0x1FCC0];
	_ =	sdelay $0x1  }
0x6c: {  	v1 =	vld [tilespmem:$0x1FCD0]  }
0x6d: {  	v2 =	vld [tilespmem:$0x1FCA0]  }
0x6e: {  	v3 =	vld [tilespmem:$0x1FCE0]  }
0x6f: {  	v19 =	vsub.f32 v19, v0;
	v0 =	vld [tilespmem:$0x1FCF0];
	_ =	sdelay $0x1  }
0x70: {  	v35 =	vmul.f32 v35, v35;
	v4 =	vld [tilespmem:$0x1FD00]  }
0x71: {  	v36 =	vmul.f32 v36, v36;
	v40 =	vmul.f32 v40, v40  }
0x72: {  	v38 =	vmul.f32 v38, v38;
	v7 =	vld [tilespmem:$0x1FD20];
	v1 =	vsub.f32 v17, v1;
	v3 =	vsub.f32 v13, v3  }
0x73: {  	v43 =	vmul.f32 v43, v43;
	v0 =	vsub.f32 v17, v0;
	v17 =	vsub.f32 v17, v2;
	v2 =	vld [tilespmem:$0x1FCB0]  }
0x74: {  	v47 =	vmul.f32 v47, v47;
	v58 =	vmul.f32 v58, v58  }
0x75: {  	v6 =	vsub.f32 v13, v4;
	v1 =	vmul.f32 v1, v1;
	v3 =	vmul.f32 v3, v3  }
0x76: {  	v45 =	vmul.f32 v45, v45;
	v53 =	vmul.f32 v53, v53  }
0x77: {  	v62 =	vmul.f32 v62, v62;
	v6 =	vmul.f32 v6, v6;
	v1 =	vadd.f32 v3, v1  }
0x78: {  	v3 =	vmul.f32 v63, v63;
	v2 =	vsub.f32 v13, v2;
	v13 =	vsub.f32 v13, v7  }
0x79: {  	v17 =	vmul.f32 v17, v17;
	v0 =	vmul.f32 v0, v0  }
0x7a: {  	v2 =	vmul.f32 v2, v2;
	v13 =	vmul.f32 v13, v13  }
0x7b: {  	v4 =	vld [tilespmem:s23+$0x1E00];
	v19 =	vmul.f32 v19, v19;
	v0 =	vadd.f32 v6, v0;
	v6 =	vmul.f32 v52, v52  }
0x7c: {  	v2 =	vadd.f32 v2, v17;
	v3 =	vadd.f32 v13, v3;
	v13 =	vmul.f32 v41, v41  }
0x7d: {  	v59 =	vmul.f32 v59, v59;
	v1 =	vadd.f32 v62, v1;
	v6 =	vadd.f32 v6, v58  }
0x7e: {  	v37 =	vmul.f32 v37, v37;
	v2 =	vadd.f32 v19, v2;
	v13 =	vadd.f32 v13, v53  }
0x7f: {  	v49 =	vmul.f32 v49, v49;
	v0 =	vadd.f32 v59, v0;
	v6 =	vadd.f32 v45, v6  }
0x80: {  	v4 =	vmin.f32 v4, v2;
	v40 =	vadd.f32 v40, v13;
	v13 =	vadd.f32 v38, v37  }
0x81: {  	v17 =	vadd.f32 v47, v43;
	v3 =	vadd.f32 v49, v3;
	v4 =	vmin.f32 v4, v1  }
0x82: {  	v4 =	vmin.f32 v4, v0;
	v30 =	vadd.f32 v30, v13;
	v13 =	vadd.f32 v32, v31  }
0x83: {  	v33 =	vadd.f32 v33, v17;
	v17 =	vadd.f32 v36, v35;
	v4 =	vmin.f32 v4, v3  }
0x84: {  	v4 =	vmin.f32 v4, v6;
	v23 =	vadd.f32 v23, v13;
	v13 =	vadd.f32 v25, v24  }
0x85: {  	v27 =	vadd.f32 v27, v17;
	v17 =	vadd.f32 v29, v28;
	v4 =	vmin.f32 v4, v40  }
0x86: {  	v4 =	vmin.f32 v4, v33;
	v15 =	vadd.f32 v15, v13;
	v13 =	vadd.f32 v18, v16  }
0x87: {  	s25 =	sshra.s32 s24, $0x2;
	v7 =	vld [tilespmem:$0x1FD70];
	v20 =	vadd.f32 v20, v17;
	v4 =	vmin.f32 v4, v30  }
0x88: {  	v17 =	vadd.f32 v22, v21;
	v4 =	vmin.f32 v4, v27;
	v8 =	vadd.f32 v8, v13;
	v13 =	vld [tilespmem:s25+$0xE00]  }
0x89: {  	v4 =	vmin.f32 v4, v23  }
0x8a: {  	v11 =	vadd.f32 v11, v17;
	v4 =	vmin.f32 v4, v20  }
0x8b: {  	v19 =	vld [tilespmem:s25+$0x1600];
	v4 =	vmin.f32 v4, v15  }
0x8c: {  	v32 =	vmin.f32 v4, v11;
	v4 =	vld [tilespmem:$0x1FDC0]  }
0x8d: {  	v9 =	vadd.f32 v10, v9;
	v10 =	vsub.f32 v13, v7;
	v7 =	vld [tilespmem:$0x1FD80];
	_ =	sdelay $0x2  }
0x8e: {  	v12 =	vadd.f32 v14, v12  }
0x8f: {  	v17 =	vld [tilespmem:s25+$0x600]  }
0x90: {  	v4 =	vadd.f32 v4, v12;
	v12 =	vsub.f32 v19, v7;
	v7 =	vld [tilespmem:$0x1FD90];
	_ =	sdelay $0x4  }
0x91: {  	v14 =	vsub.f32 v17, v7;
	v7 =	vld [tilespmem:$0x1FDA0];
	_ =	sdelay $0x4  }
0x92: {  	v16 =	vsub.f32 v19, v7;
	v7 =	vld [tilespmem:$0x1FDB0];
	_ =	sdelay $0x4  }
0x93: {  	v18 =	vsub.f32 v13, v7;
	v7 =	vld [tilespmem:$0x1FDD0];
	_ =	sdelay $0x4  }
0x94: {  	v21 =	vsub.f32 v17, v7;
	v7 =	vld [tilespmem:$0x1FDF0];
	_ =	sdelay $0x4  }
0x95: {  	v22 =	vsub.f32 v13, v7;
	v7 =	vld [tilespmem:$0x1FE00];
	_ =	sdelay $0x4  }
0x96: {  	v46 =	vmin.f32 v46, v23;
	v23 =	vsub.f32 v19, v7;
	v7 =	vld [tilespmem:$0x1FE10];
	_ =	sdelay $0x4  }
0x97: {  	v24 =	vsub.f32 v17, v7;
	v7 =	vld [tilespmem:$0x1FE30];
	_ =	sdelay $0x4  }
0x98: {  	v25 =	vsub.f32 v19, v7;
	v7 =	vld [tilespmem:$0x1FE20];
	_ =	sdelay $0x4  }
0x99: {  	v48 =	vmin.f32 v48, v27;
	v27 =	vsub.f32 v13, v7;
	v7 =	vld [tilespmem:$0x1FE40];
	_ =	sdelay $0x4  }
0x9a: {  	v28 =	vsub.f32 v17, v7;
	v7 =	vld [tilespmem:$0x1FE50];
	_ =	sdelay $0x4  }
0x9b: {  	v29 =	vsub.f32 v13, v7;
	v7 =	vld [tilespmem:$0x1FE60];
	_ =	sdelay $0x4  }
0x9c: {  	v50 =	vmin.f32 v50, v30;
	v30 =	vsub.f32 v19, v7;
	v7 =	vld [tilespmem:$0x1FE70];
	_ =	sdelay $0x4  }
0x9d: {  	v31 =	vsub.f32 v17, v7;
	v7 =	vld [tilespmem:$0x1FE80];
	_ =	sdelay $0x4  }
0x9e: {  	v35 =	vmin.f32 v32, v8;
	v32 =	vsub.f32 v19, v7;
	v7 =	vld [tilespmem:$0x1FE90];
	_ =	sdelay $0x1  }
0x9f: {  	v52 =	vld [tilespmem:$0x1FF50]  }
0xa0: {  	v59 =	vld [tilespmem:$0x1FF80]  }
0xa1: {  	v45 =	vld [tilespmem:$0x1FF20]  }
0xa2: {  	v51 =	vmin.f32 v51, v33;
	v33 =	vsub.f32 v13, v7;
	v7 =	vld [tilespmem:$0x1FEB0]  }
0xa3: {  	v43 =	vld [tilespmem:$0x1FF10]  }
0xa4: {  	v36 =	vld [tilespmem:$0x1FDE0]  }
0xa5: {  	v38 =	vld [tilespmem:$0x1FD30]  }
0xa6: {  	v54 =	vmin.f32 v54, v6;
	v6 =	vld [tilespmem:$0x1FD50]  }
0xa7: {  	v63 =	vsub.f32 v13, v7;
	v7 =	vld [tilespmem:$0x1FED0]  }
0xa8: {  	v61 =	vmin.f32 v61, v1;
	v57 =	vmin.f32 v57, v3;
	v3 =	vld [tilespmem:$0x1FD40]  }
0xa9: {  	v56 =	vmin.f32 v56, v0;
	v47 =	vld [tilespmem:$0x1FF30];
	v60 =	vmin.f32 v60, v2;
	v2 =	vadd.f32 v36, v9  }
0xaa: {  	v49 =	vld [tilespmem:$0x1FF40];
	v55 =	vmin.f32 v55, v40;
	v45 =	vsub.f32 v19, v45;
	v59 =	vsub.f32 v19, v59  }
0xab: {  	v44 =	vmin.f32 v44, v20;
	v1 =	vsub.f32 v19, v38;
	v40 =	vld [tilespmem:$0x1FD60];
	v5 =	vmin.f32 v5, v2  }
0xac: {  	v6 =	vsub.f32 v19, v6;
	v37 =	vmin.f32 v35, v4;
	v35 =	vsub.f32 v17, v7;
	v7 =	vld [tilespmem:$0x1FEE0]  }
0xad: {  	v39 =	vmin.f32 v39, v11;
	v1 =	vmul.f32 v1, v1;
	v3 =	vsub.f32 v19, v3  }
0xae: {  	v41 =	vld [tilespmem:$0x1FEC0];
	v42 =	vmin.f32 v42, v15;
	v34 =	vmin.f32 v34, v8;
	v6 =	vmul.f32 v6, v6  }
0xaf: {  	v58 =	vld [tilespmem:$0x1FF70];
	v38 =	vsub.f32 v13, v43;
	v43 =	vsub.f32 v17, v47;
	v0 =	vmin.f32 v37, v2  }
0xb0: {  	v62 =	vld [tilespmem:$0x1FF90];
	v8 =	vmul.f32 v3, v3;
	v47 =	vsub.f32 v13, v49;
	[tilespmem:s23+$0x1E00] =	vst v0;
	v0 =	vsub.f32 v17, v40  }
0xb1: {  	v49 =	vsub.f32 v19, v52;
	v10 =	vmul.f32 v10, v10;
	v40 =	vsub.f32 v19, v7;
	v7 =	vld [tilespmem:$0x1FEF0]  }
0xb2: {  	v26 =	vmin.f32 v26, v4;
	v4 =	vld [tilespmem:$0x1FEA0];
	v11 =	vmul.f32 v12, v12;
	v9 =	vmul.f32 v0, v0  }
0xb3: {  	v53 =	vld [tilespmem:$0x1FF60];
	v2 =	vsub.f32 v19, v41;
	v12 =	vmul.f32 v14, v14;
	v15 =	vmul.f32 v16, v16  }
0xb4: {  	v52 =	vld [tilespmem:$0x1FFA0];
	v41 =	vsub.f32 v13, v58;
	v14 =	vmul.f32 v18, v18;
	v16 =	vmul.f32 v21, v21  }
0xb5: {  	v58 =	vsub.f32 v17, v62;
	v62 =	vld [tilespmem:$0x1FFB0];
	v18 =	vmul.f32 v22, v22;
	v20 =	vmul.f32 v23, v23  }
0xb6: {  	p0 =	sne.s32 s24, $0x1FC0;
	v21 =	vmul.f32 v24, v24;
	v23 =	vmul.f32 v25, v25;
	v36 =	vsub.f32 v13, v7;
	v7 =	vld [tilespmem:$0x1FF00]  }
.Ltmp1:
0xb7: {  	v4 =	vsub.f32 v17, v4;
	v22 =	vmul.f32 v27, v27;
	v24 =	vmul.f32 v28, v28;
	(pc) =	sbr.rel @p0 .LBB2_5-.Ltmp1, $4  }
0xb8: {  	v53 =	vsub.f32 v17, v53;
	v25 =	vmul.f32 v29, v29;
	v27 =	vmul.f32 v30, v30  }
0xb9: {  	v52 =	vsub.f32 v13, v52;
	v28 =	vmul.f32 v31, v31;
	v31 =	vmul.f32 v4, v4  }
0xba: {  	[tilespmem:$0x1FDE0] =	vst v1;
	v62 =	vsub.f32 v19, v62;
	v30 =	vmul.f32 v32, v32;
	v29 =	vmul.f32 v33, v33  }
0xbb: {  	s24 =	sadd.s32 $0x40, s24;
	[tilespmem:$0x1FDC0] =	vst v6;
	s23 =	smov.u32 s25;
	v33 =	vmul.f32 v2, v2;
	v32 =	vmul.f32 v63, v63;
	v37 =	vsub.f32 v17, v7  }
0xbc: {  	v1 =	vld [tilespmem:$0x1FD10]  }
0xbd: {  	v2 =	vld [tilespmem:$0x1FCA0]  }
0xbe: {  	v3 =	vld [tilespmem:$0x1FCB0]  }
0xbf: {  	v4 =	vld [tilespmem:$0x1FCD0]  }
0xc0: {  	v6 =	vld [tilespmem:$0x1FCE0]  }
0xc1: {  	v7 =	vld [tilespmem:$0x1FCF0]  }
0xc2: {  	v0 =	vld [tilespmem:$0x1FCC0];
	v24 =	vadd.f32 v25, v24;
	v21 =	vadd.f32 v22, v21  }
0xc3: {  	v16 =	vadd.f32 v18, v16;
	v12 =	vadd.f32 v14, v12  }
0xc4: {  	v1 =	vsub.f32 v17, v1;
	v2 =	vsub.f32 v17, v2  }
0xc5: {  	v63 =	vld [tilespmem:$0x1FD20];
	v47 =	vmul.f32 v47, v47;
	v3 =	vsub.f32 v13, v3;
	v4 =	vsub.f32 v17, v4  }
0xc6: {  	v35 =	vmul.f32 v35, v35;
	v6 =	vsub.f32 v13, v6;
	v17 =	vsub.f32 v17, v7;
	v7 =	vld [tilespmem:$0x1FD00]  }
0xc7: {  	v0 =	vsub.f32 v19, v0;
	v2 =	vmul.f32 v2, v2;
	v3 =	vmul.f32 v3, v3  }
0xc8: {  	v9 =	vadd.f32 v10, v9;
	v4 =	vmul.f32 v4, v4;
	v6 =	vmul.f32 v6, v6  }
0xc9: {  	v15 =	vadd.f32 v15, v24;
	v0 =	vmul.f32 v0, v0;
	v1 =	vmul.f32 v1, v1  }
0xca: {  	v2 =	vadd.f32 v3, v2;
	v3 =	vadd.f32 v6, v4;
	v4 =	vmul.f32 v17, v17  }
0xcb: {  	v19 =	vsub.f32 v13, v7;
	v13 =	vsub.f32 v13, v63;
	v63 =	vmul.f32 v62, v62  }
0xcc: {  	v11 =	vadd.f32 v11, v21;
	v7 =	vmul.f32 v45, v45;
	v45 =	vmul.f32 v43, v43  }
0xcd: {  	v0 =	vadd.f32 v0, v2;
	v2 =	vmul.f32 v59, v59;
	v59 =	vmul.f32 v13, v13  }
0xce: {  	v62 =	vmul.f32 v58, v58;
	v3 =	vadd.f32 v63, v3;
	v63 =	vmul.f32 v52, v52  }
0xcf: {  	v6 =	vmul.f32 v19, v19;
	v17 =	vadd.f32 v47, v45;
	v1 =	vadd.f32 v59, v1  }
0xd0: {  	v58 =	vadd.f32 v63, v62;
	v59 =	vmul.f32 v53, v53;
	v62 =	vmul.f32 v41, v41  }
0xd1: {  	v36 =	vmul.f32 v36, v36;
	v8 =	vadd.f32 v8, v16;
	v4 =	vadd.f32 v6, v4  }
0xd2: {  	v52 =	vmul.f32 v49, v49;
	v17 =	vadd.f32 v33, v17;
	v13 =	vadd.f32 v62, v59;
	v59 =	vld [tilespmem:s23+$0x1E00]  }
0xd3: {  	v49 =	vmul.f32 v37, v37;
	v6 =	vadd.f32 v7, v58;
	v58 =	vadd.f32 v36, v35  }
0xd4: {  	v63 =	vmul.f32 v40, v40;
	v2 =	vadd.f32 v2, v4;
	v1 =	vadd.f32 v52, v1  }
0xd5: {  	v52 =	vmul.f32 v38, v38;
	v62 =	vadd.f32 v32, v31;
	v19 =	vadd.f32 v27, v58;
	v27 =	vld [tilespmem:$0x1FDC0]  }
0xd6: {  	v25 =	vmin.f32 v60, v0;
	v4 =	vadd.f32 v63, v13;
	v63 =	vadd.f32 v29, v28;
	v29 =	vld [tilespmem:$0x1FDE0]  }
0xd7: {  	v31 =	vmin.f32 v51, v17;
	v53 =	vadd.f32 v52, v49;
	v7 =	vmin.f32 v59, v0  }
0xd8: {  	v23 =	vadd.f32 v23, v62;
	v20 =	vadd.f32 v20, v63;
	v22 =	vmin.f32 v7, v3  }
0xd9: {  	v13 =	vadd.f32 v30, v53;
	v33 =	vmin.f32 v48, v19;
	v24 =	vmin.f32 v22, v2;
	v22 =	vld [tilespmem:$0x1FFC0]  }
0xda: {  	v35 =	vmin.f32 v46, v23;
	v3 =	vmin.f32 v61, v3;
	v36 =	vmin.f32 v44, v20  }
0xdb: {  	v28 =	vadd.f32 v27, v12;
	v0 =	vadd.f32 v29, v9;
	v10 =	vmin.f32 v24, v1  }
0xdc: {  	v2 =	vmin.f32 v56, v2;
	v1 =	vmin.f32 v57, v1;
	v30 =	vmin.f32 v10, v6  }
0xdd: {  	v6 =	vmin.f32 v54, v6;
	v7 =	vmin.f32 v26, v28;
	v9 =	vmin.f32 v30, v4  }
0xde: {  	v4 =	vmin.f32 v55, v4;
	v9 =	vmin.f32 v9, v17;
	v32 =	vperm.xlane v25, v22  }
0xdf: {  	v9 =	vmin.f32 v9, v13;
	v38 =	vperm.xlane v3, v22;
	v45 =	vperm.xlane v6, v22  }
0xe0: {  	v13 =	vmin.f32 v50, v13;
	v52 =	vperm.xlane v4, v22;
	v55 =	vperm.xlane v31, v22  }
0xe1: {  	v63 =	vperm.xlane v33, v22;
	v9 =	vmin.f32 v9, v19;
	v59 =	vperm.xlane v13, v22  }
0xe2: {  	v9 =	vmin.f32 v9, v23;
	v12 =	vmin.f32 v25, v32;
	v3 =	vmin.f32 v3, v38  }
0xe3: {  	v23 =	vld [tilespmem:$0x1FFD0];
	v6 =	vmin.f32 v6, v45;
	v4 =	vmin.f32 v4, v52;
	v10 =	vmin.f32 v31, v55  }
0xe4: {  	v19 =	vmin.f32 v33, v63;
	v31 =	vperm.xlane v36, v22;
	v9 =	vmin.f32 v9, v20  }
0xe5: {  	v52 =	vperm.xlane v7, v22;
	v62 =	vmin.f32 v13, v59;
	v9 =	vmin.f32 v9, v15  }
0xe6: {  	v15 =	vmin.f32 v42, v15;
	v42 =	vperm.xlane v1, v22;
	v9 =	vmin.f32 v9, v11  }
0xe7: {  	v11 =	vmin.f32 v39, v11;
	v39 =	vperm.xlane v2, v22;
	v9 =	vmin.f32 v9, v8  }
0xe8: {  	v1 =	vmin.f32 v1, v42;
	v45 =	vperm.xlane v11, v22;
	v37 =	vperm.xlane v12, v23  }
0xe9: {  	v8 =	vmin.f32 v34, v8;
	v40 =	vperm.xlane v3, v23;
	v47 =	vperm.xlane v1, v23  }
0xea: {  	v34 =	vmin.f32 v36, v31;
	v49 =	vperm.xlane v6, v23;
	v57 =	vperm.xlane v4, v23  }
0xeb: {  	v24 =	vld [tilespmem:$0x1FFE0];
	v9 =	vmin.f32 v9, v28;
	v58 =	vperm.xlane v10, v23;
	v13 =	vperm.xlane v62, v23  }
0xec: {  	v2 =	vmin.f32 v2, v39;
	v26 =	vperm.xlane v19, v23;
	v28 =	vperm.xlane v35, v22  }
0xed: {  	vm5 =	vmmov $0x3f;
	v14 =	vperm.xlane v34, v23;
	v41 =	vperm.xlane v2, v23  }
0xee: {  	v42 =	vmin.f32 v9, v0;
	v0 =	vmin.f32 v5, v0;
	v12 =	vmin.f32 v12, v37  }
0xef: {  	v3 =	vmin.f32 v3, v40;
	v1 =	vmin.f32 v1, v47;
	v6 =	vmin.f32 v6, v49  }
0xf0: {  	v4 =	vmin.f32 v4, v57;
	v55 =	vperm.xlane v0, v22;
	v18 =	vperm.xlane v12, v24  }
0xf1: {  	v21 =	vmin.f32 v62, v13;
	v44 =	vperm.xlane v3, v24;
	v51 =	vperm.xlane v1, v24  }
0xf2: {  	v25 =	vld [tilespmem:$0x1FFF0];
	v38 =	vmin.f32 v34, v14;
	v53 =	vperm.xlane v6, v24;
	v61 =	vperm.xlane v4, v24  }
0xf3: {  	v2 =	vmin.f32 v2, v41;
	v13 =	vperm.xlane v21, v24;
	v41 =	vperm.xlane v38, v24  }
0xf4: {  	v46 =	vperm.xlane v2, v24;
	v0 =	vmin.f32 v0, v55;
	v12 =	vmin.f32 v12, v18  }
0xf5: {  	v3 =	vmin.f32 v3, v44;
	v1 =	vmin.f32 v1, v51;
	v56 =	vmin.f32 v6, v53  }
0xf6: {  	v6 =	vmin.f32 v10, v58;
	v51 =	vperm.xlane v8, v22;
	v58 =	vperm.xlane v0, v23  }
0xf7: {  	v49 =	vmin.f32 v11, v45;
	v43 =	vperm.xlane v12, v25;
	v48 =	vperm.xlane v3, v25  }
0xf8: {  	v2 =	vmin.f32 v2, v46;
	v54 =	vperm.xlane v1, v25;
	v18 =	vperm.xlane v56, v25  }
0xf9: {  	v50 =	vperm.xlane v2, v25;
	v0 =	vmin.f32 v0, v58;
	v12 =	vmin.f32 v12, v43  }
0xfa: {  	v3 =	vmin.f32 v3, v48;
	v1 =	vmin.f32 v1, v54;
	v60 =	vmin.f32 v56, v18  }
0xfb: {  	v18 =	vperm.xlane v6, v24;
	v54 =	vmin.f32 v8, v51;
	v3 =	vsel vm0, v12, v3  }
0xfc: {  	v2 =	vmin.f32 v2, v50;
	v50 =	vperm.xlane v49, v23;
	v56 =	vperm.xlane v54, v23  }
0xfd: {  	v2 =	vsel vm1, v3, v2;
	v3 =	vmin.f32 v4, v61;
	v4 =	vmin.f32 v6, v18  }
0xfe: {  	v6 =	vmin.f32 v21, v13;
	v1 =	vsel vm2, v2, v1;
	v20 =	vperm.xlane v3, v25  }
0xff: {  	v27 =	vperm.xlane v4, v25;
	v2 =	vmin.f32 v19, v26;
	v29 =	vperm.xlane v6, v25  }
0x100: {  	v53 =	vmin.f32 v49, v50;
	v1 =	vsel vm3, v1, v60;
	v10 =	vperm.xlane v2, v24  }
0x101: {  	v9 =	vperm.xlane v53, v24;
	v3 =	vmin.f32 v3, v20;
	v4 =	vmin.f32 v4, v27  }
0x102: {  	v32 =	vmin.f32 v6, v29;
	v6 =	vmin.f32 v38, v41;
	v1 =	vsel vm4, v1, v3  }
0x103: {  	v3 =	vmin.f32 v35, v28;
	v2 =	vmin.f32 v2, v10;
	v35 =	vperm.xlane v15, v22  }
0x104: {  	v44 =	vperm.xlane v6, v25;
	v5 =	vmin.f32 v53, v9;
	v30 =	vperm.xlane v3, v23  }
0x105: {  	v1 =	vsel vm5, v1, v4;
	v33 =	vperm.xlane v2, v25;
	v37 =	vmin.f32 v15, v35  }
0x106: {  	vm5 =	vmmov $0x7f;
	v9 =	vperm.xlane v5, v25;
	v39 =	vperm.xlane v37, v23  }
0x107: {  	v1 =	vsel vm5, v1, v32;
	vm5 =	vmmov $0xff;
	v47 =	vmin.f32 v6, v44  }
0x108: {  	v6 =	vmin.f32 v54, v56;
	v3 =	vmin.f32 v3, v30;
	v4 =	vmin.f32 v37, v39  }
0x109: {  	v2 =	vmin.f32 v2, v33;
	v36 =	vperm.xlane v3, v24;
	v43 =	vperm.xlane v4, v24  }
0x10a: {  	v59 =	vperm.xlane v6, v24;
	v5 =	vmin.f32 v5, v9;
	v1 =	vsel vm5, v1, v2  }
0x10b: {  	v3 =	vmin.f32 v3, v36;
	v46 =	vmin.f32 v4, v43;
	v4 =	vmin.f32 v7, v52  }
0x10c: {  	v6 =	vmin.f32 v6, v59;
	v40 =	vperm.xlane v3, v25;
	v57 =	vperm.xlane v4, v23  }
0x10d: {  	vm5 =	vmmov $0x1ff;
	v61 =	vperm.xlane v6, v25;
	v7 =	vperm.xlane v0, v24  }
0x10e: {  	v3 =	vmin.f32 v3, v40;
	v48 =	vperm.xlane v46, v25;
	v4 =	vmin.f32 v4, v57  }
0x10f: {  	v1 =	vsel vm5, v1, v3;
	vm5 =	vmmov $0x3ff;
	v60 =	vperm.xlane v4, v24  }
0x110: {  	v1 =	vsel vm5, v1, v47;
	v3 =	vmin.f32 v46, v48;
	vm5 =	vmmov $0x7ff  }
0x111: {  	s21 =	sadd.s32 $0x1, s21;
	v0 =	vmin.f32 v0, v7;
	v1 =	vsel vm5, v1, v3;
	v3 =	vmin.f32 v4, v60  }
0x112: {  	p0 =	sne.s32 s21, $0x20;
	v63 =	vperm.xlane v0, v25;
	vm5 =	vmmov $0xfff;
	v62 =	vperm.xlane v3, v25  }
.Ltmp2:
0x113: {  	v1 =	vsel vm5, v1, v5;
	vm5 =	vmmov $0x1fff;
	v4 =	vmin.f32 v6, v61;
	(pc) =	sbr.rel @p0 .LBB2_4-.Ltmp2, $4  }
0x114: {  	v1 =	vsel vm5, v1, v4;
	vm5 =	vmmov $0x3fff;
	v3 =	vmin.f32 v3, v62  }
0x115: {  	v0 =	vmin.f32 v0, v63;
	v1 =	vsel vm5, v1, v3;
	vm5 =	vmmov $0x7fff  }
0x116: {  	[tilespmem:s23+$0x1E00] =	vst v42;
	v0 =	vsel vm5, v1, v0  }
0x117: {  	[tilespmem:s22+$0x2600] =	vst v0  }
0x118: {  	[hbm4b:s10+s2] =	stream.linear.scatter [tilespmem:s18], [sflag:$0x1], $0x200, $0x38;
	[tilespmem:$0x2800] =	vst v63  }
0x119: {  	s20 =	sadd.s32 $0x1, s20;
	_ =	swait.ge [sflag:s3], $0x200  }
0x11a: {  	p0 =	sne.s32 s20, s12;
	[sflag:s3] =	ssyncset.done $0x0  }
.Ltmp3:
0x11b: {  	[sflag:s3] =	ssyncadd.s32 $0xFFFFFE00;
	(pc) =	sbr.rel @p0 .LBB2_1-.Ltmp3, $4  }
0x11c: {  	[hbm4b:s11+s2] =	stream.linear.scatter [tilespmem:s19], [sflag:$0x1], $0x800, $0x38;
	[tilespmem:$0x2800] =	vst v63  }
0x11d: {  	_ =	swait.ge [sflag:s3], $0x800  }
0x11e: {  	[sflag:s3] =	ssyncset.done $0x0  }
0x11f: {  	v5 =	vimm.f32 $3.000000010e+38;
	[sflag:s3] =	ssyncadd.s32 $0xFFFFF800  }
0x120: {  	_ =	sfence.sel $0x180000  }
0x121: {  	[bflag:$0x0] =	sbarrier.arrive $0xFFFF  }
0x122: {  	p0 =	sne.s32 s0, $0x0;
	_ =	strace $0x90000047  }
0x123: {  	s0 =	sadd.s32 @!p0 $0x100000, s1;
	[bflag:$0x2] =	sbarrier.arrive $0xFFFF  }
0x124: {  	[sflag:s0] =	ssyncadd.tile.s32 @!p0 $0x1;
	_ =	shalt  }
.Lfunc_end2:
_tile_overlayer_lowered:
.L_overlay_start_2:
0x125: {  	(tag) =	ssettag $0x2  }
0x126: {  	s0 =	rddreg [dreg:$0x0];
	s2 =	stileid.u32  }
0x127: {  	s1 =	rddreg [dreg:$0x1];
	p0 =	sne.s32 s2, $0x0  }
0x128: {  	s3 =	rddreg [dreg:$0x2];
	[bflag:$0x3] =	sbarrier.arrive $0xFFFF;
	s2 =	simm.s32 @!p0 $0x1C01  }
0x129: {  	[timem:s3], [sflag:s2] =	dma.local @!p0 [hbm:s0], s1  }
0x12a: {  	s0 =	simm.s32 @!p0 $0x1  }
0x12b: {  	_ =	swait.ge @!p0 [sflag:s0], s1  }
0x12c: {  	s1 =	ssub.s32 @!p0 $0x0, s1;
	[sflag:s0] =	ssyncset.done @!p0 $0x0  }
0x12d: {  	[sflag:s0] =	ssyncadd.s32 @!p0 s1  }
0x12e: {  	[bflag:$0x3] =	sbarrier.arrive $0xFFFF  }
0x12f: {  	_ =	shalt  }

</sc_bundles>
